<compile_context>
chip_gen: v7x
topology: tpu7x:2x2x1
jax: 0.10.2.dev20260603
libtpu: 0.0.44.dev20260713+nightly
codegen_flags: <defaults>
</compile_context>

<pallas_src>
import functools
import math

import jax
import jax.numpy as jnp
from jax import lax
from jax.experimental import pallas as pl
from jax.experimental.pallas import tpu as pltpu
from jax.experimental.pallas import tpu_sc as plsc

B, S, D = 1, 2048, 768
H, KV, DH = 12, 4, 64
E, TOPK, FF = 8, 2, 768
EPS = 1e-5
THETA = 150000.0
ALPHA = 1.702
LIMIT = 7.0

BS1 = 256
BQ = 256
BT = 128


def _rms_in(x, w):
    v = jnp.mean(jnp.square(x), axis=-1, keepdims=True)
    return x * jax.lax.rsqrt(v + EPS) * w


def _k1_body(h_ref, ln1_ref, wq_ref, bq_ref, wk_ref, bk_ref, wv_ref, bv_ref,
             q_ref, k_ref, v_ref):
    x = _rms_in(h_ref[...], ln1_ref[...])
    q_ref[...] = jnp.dot(x, wq_ref[...], preferred_element_type=jnp.float32) + bq_ref[...]
    k_ref[...] = jnp.dot(x, wk_ref[...], preferred_element_type=jnp.float32) + bk_ref[...]
    v_ref[...] = jnp.dot(x, wv_ref[...], preferred_element_type=jnp.float32) + bv_ref[...]


def _k1(h, ln1_w, wq, bq, wk, bk, wv, bv):
    n = S // BS1
    return pl.pallas_call(
        _k1_body,
        grid=(n,),
        in_specs=[
            pl.BlockSpec((BS1, D), lambda i: (i, 0)),
            pl.BlockSpec((1, D), lambda i: (0, 0)),
            pl.BlockSpec((D, H * DH), lambda i: (0, 0)),
            pl.BlockSpec((1, H * DH), lambda i: (0, 0)),
            pl.BlockSpec((D, KV * DH), lambda i: (0, 0)),
            pl.BlockSpec((1, KV * DH), lambda i: (0, 0)),
            pl.BlockSpec((D, KV * DH), lambda i: (0, 0)),
            pl.BlockSpec((1, KV * DH), lambda i: (0, 0)),
        ],
        out_specs=[
            pl.BlockSpec((BS1, H * DH), lambda i: (i, 0)),
            pl.BlockSpec((BS1, KV * DH), lambda i: (i, 0)),
            pl.BlockSpec((BS1, KV * DH), lambda i: (i, 0)),
        ],
        out_shape=[
            jax.ShapeDtypeStruct((S, H * DH), jnp.float32),
            jax.ShapeDtypeStruct((S, KV * DH), jnp.float32),
            jax.ShapeDtypeStruct((S, KV * DH), jnp.float32),
        ],
    )(h, ln1_w[None, :], wq, bq[None, :], wk, bk[None, :], wv, bv[None, :])


def _rope(x, cos, sin):
    x1 = x[:, :DH // 2]
    x2 = x[:, DH // 2:]
    return jnp.concatenate([x1 * cos - x2 * sin, x2 * cos + x1 * sin], axis=1)


def _k2_body(q_ref, k_ref, v_ref, cq_ref, sq_ref, ck_ref, sk_ref, sink_ref,
             o_ref):
    h = pl.program_id(0)
    iq = pl.program_id(1)
    q = _rope(q_ref[0], cq_ref[...], sq_ref[...]) * (1.0 / math.sqrt(DH))
    k = _rope(k_ref[0], ck_ref[...], sk_ref[...])
    logits = jax.lax.dot_general(q, k, (((1,), (1,)), ((), ())),
                                 preferred_element_type=jnp.float32)
    row = iq * BQ + jax.lax.broadcasted_iota(jnp.int32, (BQ, S), 0)
    col = jax.lax.broadcasted_iota(jnp.int32, (BQ, S), 1)
    logits = jnp.where(col <= row, logits, -1e9)
    sink = sink_ref[h]
    m = jnp.maximum(jnp.max(logits, axis=1, keepdims=True), sink)
    p = jnp.exp(logits - m)
    denom = jnp.sum(p, axis=1, keepdims=True) + jnp.exp(sink - m)
    o = jnp.dot(p, v_ref[0], preferred_element_type=jnp.float32)
    o_ref[0] = o / denom


def _k2(q, k, v, cos, sin, sinks):
    rep = H // KV
    nq = S // BQ
    return pl.pallas_call(
        _k2_body,
        grid=(H, nq),
        in_specs=[
            pl.BlockSpec((1, BQ, DH), lambda h, i: (h, i, 0)),
            pl.BlockSpec((1, S, DH), lambda h, i: (h // rep, 0, 0)),
            pl.BlockSpec((1, S, DH), lambda h, i: (h // rep, 0, 0)),
            pl.BlockSpec((BQ, DH // 2), lambda h, i: (i, 0)),
            pl.BlockSpec((BQ, DH // 2), lambda h, i: (i, 0)),
            pl.BlockSpec((S, DH // 2), lambda h, i: (0, 0)),
            pl.BlockSpec((S, DH // 2), lambda h, i: (0, 0)),
            pl.BlockSpec(memory_space=pltpu.SMEM),
        ],
        out_specs=pl.BlockSpec((1, BQ, DH), lambda h, i: (h, i, 0)),
        out_shape=jax.ShapeDtypeStruct((H, S, DH), jnp.float32),
    )(q, k, v, cos, sin, cos, sin, sinks)


def _k3_body(attn_ref, wo_ref, bo_ref, res_ref, ln2_ref, rw_ref, rb_ref,
             h_ref, x2_ref, i1_ref, i2_ref, w1_ref, w2_ref):
    a = attn_ref[...]
    h = jnp.dot(a, wo_ref[...], preferred_element_type=jnp.float32) \
        + bo_ref[...] + res_ref[...]
    h_ref[...] = h
    x2 = _rms_in(h, ln2_ref[...])
    x2_ref[...] = x2
    rl = jnp.dot(x2, rw_ref[...], preferred_element_type=jnp.float32) + rb_ref[...]
    m1 = jnp.max(rl, axis=1, keepdims=True)
    ids = jax.lax.broadcasted_iota(jnp.int32, rl.shape, 1)
    i1 = jnp.min(jnp.where(rl == m1, ids, E), axis=1, keepdims=True)
    rl2 = jnp.where(ids == i1, -jnp.inf, rl)
    m2 = jnp.max(rl2, axis=1, keepdims=True)
    i2 = jnp.min(jnp.where(rl2 == m2, ids, E), axis=1, keepdims=True)
    b = jnp.exp(m2 - m1)
    w1 = 1.0 / (1.0 + b)
    i1_ref[...] = i1
    i2_ref[...] = i2
    w1_ref[...] = w1
    w2_ref[...] = b * w1


def _k3(attn, wo, bo, res, ln2_w, router_w, router_b):
    n = S // BS1
    return pl.pallas_call(
        _k3_body,
        grid=(n,),
        in_specs=[
            pl.BlockSpec((BS1, H * DH), lambda i: (i, 0)),
            pl.BlockSpec((H * DH, D), lambda i: (0, 0)),
            pl.BlockSpec((1, D), lambda i: (0, 0)),
            pl.BlockSpec((BS1, D), lambda i: (i, 0)),
            pl.BlockSpec((1, D), lambda i: (0, 0)),
            pl.BlockSpec((D, E), lambda i: (0, 0)),
            pl.BlockSpec((1, E), lambda i: (0, 0)),
        ],
        out_specs=[
            pl.BlockSpec((BS1, D), lambda i: (i, 0)),
            pl.BlockSpec((BS1, D), lambda i: (i, 0)),
            pl.BlockSpec((BS1, 1), lambda i: (i, 0)),
            pl.BlockSpec((BS1, 1), lambda i: (i, 0)),
            pl.BlockSpec((BS1, 1), lambda i: (i, 0)),
            pl.BlockSpec((BS1, 1), lambda i: (i, 0)),
        ],
        out_shape=[
            jax.ShapeDtypeStruct((S, D), jnp.float32),
            jax.ShapeDtypeStruct((S, D), jnp.float32),
            jax.ShapeDtypeStruct((S, 1), jnp.int32),
            jax.ShapeDtypeStruct((S, 1), jnp.int32),
            jax.ShapeDtypeStruct((S, 1), jnp.float32),
            jax.ShapeDtypeStruct((S, 1), jnp.float32),
        ],
    )(attn, wo, bo[None, :], res, ln2_w[None, :], router_w.T, router_b[None, :])


NCORE, NSUB, LANE = 2, 16, 16
NW = NCORE * NSUB
NPAD = S * TOPK + E * BT
NTILE = NPAD // BT
NGRP = 48


def _sc_mesh():
    return plsc.VectorSubcoreMesh(core_axis_name="c", subcore_axis_name="s",
                                  num_cores=NCORE, num_subcores=NSUB)


def _sc_route_body(i1_hbm, i2_hbm, st_hbm, p0_hbm, p1_hbm, grp_hbm,
                   i1_v, i2_v, st_v, p0_v, p1_v, cnt_v, seg_v, nxt_v, grp_v,
                   *, worker_id):
    @pl.when(worker_id == 0)
    def _():
        pltpu.sync_copy(i1_hbm, i1_v)
        pltpu.sync_copy(i2_hbm, i2_v)
        zeros16 = jnp.zeros((LANE,), jnp.int32)
        ones16 = jnp.full((LANE,), 1, jnp.int32)
        seven16 = jnp.full((LANE,), 7, jnp.int32)
        e7_16 = jnp.full((LANE,), E - 1, jnp.int32)
        bt16 = jnp.full((LANE,), BT, jnp.int32)
        lanes = lax.iota(jnp.int32, LANE)
        cnt_v[...] = zeros16

        def zi(i, c):
            st_v[pl.ds(i * LANE, LANE)] = zeros16
            return c
        lax.fori_loop(0, NPAD // LANE, zi, 0)

        def p1(i, c):
            plsc.addupdate_scatter(cnt_v, [i1_v[pl.ds(i * LANE, LANE)]], ones16)
            plsc.addupdate_scatter(cnt_v, [i2_v[pl.ds(i * LANE, LANE)]], ones16)
            return c
        lax.fori_loop(0, S // LANE, p1, 0)

        cnt = cnt_v[...]
        padded = ((cnt + jnp.full((LANE,), BT - 1, jnp.int32)) >> seven16) << seven16
        seg_end = plsc.cumsum(padded)
        plsc.store_scatter(seg_v, [lanes + jnp.full((LANE,), 8, jnp.int32)],
                           seg_end)
        nxt_v[...] = seg_end - padded

        for v in range(NGRP // LANE):
            jb = (lanes + jnp.full((LANE,), v * LANE, jnp.int32)) * bt16
            g = zeros16
            for e in range(E):
                se = plsc.load_gather(seg_v, [jnp.full((LANE,), 8 + e, jnp.int32)])
                g = g + (jb >= se).astype(jnp.int32)
            grp_v[pl.ds(v * LANE, LANE)] = jnp.minimum(g, e7_16)

        def p3(i, c):
            tokbase = lax.broadcast(i * LANE, (LANE,))
            for ids_v, pos_v in ((i1_v, p0_v), (i2_v, p1_v)):
                ids = ids_v[pl.ds(i * LANE, LANE)]
                base = plsc.load_gather(nxt_v, [ids])
                rank = zeros16
                for e in range(E):
                    m = ids == jnp.full((LANE,), e, jnp.int32)
                    mi = m.astype(jnp.int32)
                    rank = rank + jnp.where(m, plsc.cumsum(mi) - ones16, zeros16)
                pos = base + rank
                plsc.store_scatter(st_v, [pos], tokbase + lanes)
                pos_v[pl.ds(i * LANE, LANE)] = pos
                plsc.addupdate_scatter(nxt_v, [ids], ones16)
            return c
        lax.fori_loop(0, S // LANE, p3, 0)

        pltpu.sync_copy(st_v, st_hbm)
        pltpu.sync_copy(p0_v, p0_hbm)
        pltpu.sync_copy(p1_v, p1_hbm)
        pltpu.sync_copy(grp_v, grp_hbm)


def _sc_route(i1, i2):
    def body(i1_hbm, i2_hbm, st_hbm, p0_hbm, p1_hbm, grp_hbm,
             i1_v, i2_v, st_v, p0_v, p1_v, cnt_v, seg_v, nxt_v, grp_v):
        wid = lax.axis_index("s") * NCORE + lax.axis_index("c")
        _sc_route_body(i1_hbm, i2_hbm, st_hbm, p0_hbm, p1_hbm, grp_hbm,
                       i1_v, i2_v, st_v, p0_v, p1_v, cnt_v, seg_v, nxt_v,
                       grp_v, worker_id=wid)
    return pl.kernel(
        body,
        out_type=[
            jax.ShapeDtypeStruct((NPAD,), jnp.int32),
            jax.ShapeDtypeStruct((S,), jnp.int32),
            jax.ShapeDtypeStruct((S,), jnp.int32),
            jax.ShapeDtypeStruct((NGRP,), jnp.int32),
        ],
        mesh=_sc_mesh(),
        compiler_params=pltpu.CompilerParams(needs_layout_passes=False),
        scratch_types=[
            pltpu.VMEM((S,), jnp.int32),
            pltpu.VMEM((S,), jnp.int32),
            pltpu.VMEM((NPAD,), jnp.int32),
            pltpu.VMEM((S,), jnp.int32),
            pltpu.VMEM((S,), jnp.int32),
            pltpu.VMEM((LANE,), jnp.int32),
            pltpu.VMEM((2 * LANE,), jnp.int32),
            pltpu.VMEM((LANE,), jnp.int32),
            pltpu.VMEM((NGRP,), jnp.int32),
        ],
    )(i1, i2)


GCH = 32


def _sc_gather_body(st_hbm, x2_hbm, xs_hbm, idx_v, rows_v, sem):
    wid = lax.axis_index("s") * NCORE + lax.axis_index("c")
    per_w = NPAD // NW

    def chunk(c, carry):
        off = pl.multiple_of(wid * per_w + c * GCH, GCH)
        pltpu.sync_copy(st_hbm.at[pl.ds(off, GCH)], idx_v)
        pltpu.async_copy(x2_hbm.at[idx_v], rows_v, sem).wait()
        pltpu.sync_copy(rows_v, xs_hbm.at[pl.ds(off, GCH)])
        return carry
    lax.fori_loop(0, per_w // GCH, chunk, 0)


def _sc_gather(st, x2):
    return pl.kernel(
        _sc_gather_body,
        out_type=jax.ShapeDtypeStruct((NPAD, D), jnp.float32),
        mesh=_sc_mesh(),
        compiler_params=pltpu.CompilerParams(needs_layout_passes=False),
        scratch_types=[
            pltpu.VMEM((GCH,), jnp.int32),
            pltpu.VMEM((GCH, D), jnp.float32),
            pltpu.SemaphoreType.DMA,
        ],
    )(st, x2)


def _sc_combine_body(p0_hbm, p1_hbm, os_hbm, g0_hbm, g1_hbm, idx_v, rows_v, sem):
    wid = lax.axis_index("s") * NCORE + lax.axis_index("c")
    per_w = S // NW

    def chunk(c, carry):
        off = pl.multiple_of(wid * per_w + c * GCH, GCH)
        for p_hbm, g_hbm in ((p0_hbm, g0_hbm), (p1_hbm, g1_hbm)):
            pltpu.sync_copy(p_hbm.at[pl.ds(off, GCH)], idx_v)
            pltpu.async_copy(os_hbm.at[idx_v], rows_v, sem).wait()
            pltpu.sync_copy(rows_v, g_hbm.at[pl.ds(off, GCH)])
        return carry
    lax.fori_loop(0, per_w // GCH, chunk, 0)


def _sc_combine(p0, p1, os):
    return pl.kernel(
        _sc_combine_body,
        out_type=[
            jax.ShapeDtypeStruct((S, D), jnp.float32),
            jax.ShapeDtypeStruct((S, D), jnp.float32),
        ],
        mesh=_sc_mesh(),
        compiler_params=pltpu.CompilerParams(needs_layout_passes=False),
        scratch_types=[
            pltpu.VMEM((GCH,), jnp.int32),
            pltpu.VMEM((GCH, D), jnp.float32),
            pltpu.SemaphoreType.DMA,
        ],
    )(p0, p1, os)


def _k4_body(g_ref, xs_ref, wgu_ref, bgu_ref, pg_ref, wd_ref, bd_ref, o_ref):
    x = xs_ref[...]
    gu = jnp.dot(x, wgu_ref[0], preferred_element_type=jnp.float32) + bgu_ref[0]
    gate_v = jnp.minimum(gu, LIMIT)
    up_v = jnp.clip(pltpu.roll(gu, 2 * FF - 1, 1), -LIMIT, LIMIT)
    glu_v = gate_v * jax.nn.sigmoid(gate_v * ALPHA)
    act_v = (up_v + 1.0) * glu_v
    act = jnp.dot(act_v, pg_ref[...], preferred_element_type=jnp.float32)
    o_ref[...] = jnp.dot(act, wd_ref[0], preferred_element_type=jnp.float32) \
        + bd_ref[0]


def _k4(grp, xs, wgu, bgu, pg, wd, bd):
    grid_spec = pltpu.PrefetchScalarGridSpec(
        num_scalar_prefetch=1,
        grid=(NTILE,),
        in_specs=[
            pl.BlockSpec((BT, D), lambda j, g: (j, 0)),
            pl.BlockSpec((1, D, 2 * FF), lambda j, g: (g[j], 0, 0)),
            pl.BlockSpec((1, 1, 2 * FF), lambda j, g: (g[j], 0, 0)),
            pl.BlockSpec((2 * FF, FF), lambda j, g: (0, 0)),
            pl.BlockSpec((1, FF, D), lambda j, g: (g[j], 0, 0)),
            pl.BlockSpec((1, 1, D), lambda j, g: (g[j], 0, 0)),
        ],
        out_specs=pl.BlockSpec((BT, D), lambda j, g: (j, 0)),
    )
    return pl.pallas_call(
        _k4_body,
        grid_spec=grid_spec,
        out_shape=jax.ShapeDtypeStruct((NPAD, D), jnp.float32),
        compiler_params=pltpu.CompilerParams(
            dimension_semantics=("arbitrary",),
        ),
    )(grp, xs, wgu, bgu, pg, wd, bd)


def _k5_body(h_ref, g0_ref, g1_ref, w1_ref, w2_ref, o_ref):
    o_ref[...] = h_ref[...] + w1_ref[...] * g0_ref[...] \
        + w2_ref[...] * g1_ref[...]


def _k5(h1, g0, g1, w1, w2):
    n = S // BS1
    return pl.pallas_call(
        _k5_body,
        grid=(n,),
        in_specs=[
            pl.BlockSpec((BS1, D), lambda i: (i, 0)),
            pl.BlockSpec((BS1, D), lambda i: (i, 0)),
            pl.BlockSpec((BS1, D), lambda i: (i, 0)),
            pl.BlockSpec((BS1, 1), lambda i: (i, 0)),
            pl.BlockSpec((BS1, 1), lambda i: (i, 0)),
        ],
        out_specs=pl.BlockSpec((BS1, D), lambda i: (i, 0)),
        out_shape=jax.ShapeDtypeStruct((S, D), jnp.float32),
    )(h1, g0, g1, w1, w2)


def kernel(hidden_states, ln1_w, wq, bq, wk, bk, wv, bv, wo, bo, sinks, ln2_w,
           router_w, router_b, gate_up_proj, gate_up_bias, down_proj, down_bias):
    h0 = hidden_states.reshape(S, D)
    q, k, v = _k1(h0, ln1_w, wq, bq, wk, bk, wv, bv)
    qh = q.reshape(S, H, DH).transpose(1, 0, 2)
    kh = k.reshape(S, KV, DH).transpose(1, 0, 2)
    vh = v.reshape(S, KV, DH).transpose(1, 0, 2)
    inv = 1.0 / (THETA ** (jnp.arange(0, DH, 2, dtype=jnp.float32) / DH))
    t = jnp.arange(S, dtype=jnp.float32)
    f = jnp.outer(t, inv)
    cos, sin = jnp.cos(f), jnp.sin(f)
    oh = _k2(qh, kh, vh, cos, sin, sinks)
    attn = oh.transpose(1, 0, 2).reshape(S, H * DH)
    h1, x2, i1, i2, w1, w2 = _k3(attn, wo, bo, h0, ln2_w, router_w, router_b)
    st, p0, p1, grp = _sc_route(i1.reshape(S), i2.reshape(S))
    xs = _sc_gather(st, x2)
    pg = jnp.equal(jnp.arange(2 * FF)[:, None], 2 * jnp.arange(FF)[None, :]
                   ).astype(jnp.float32)
    os_ = _k4(grp, xs, gate_up_proj, gate_up_bias[:, None, :], pg, down_proj,
              down_bias[:, None, :])
    g0, g1 = _sc_combine(p0, p1, os_)
    out = _k5(h1, g0, g1, w1, w2)
    return out.reshape(B, S, D)

# --- scband reference (transcript-rebuilt; emitter-appended) ---
"""Pipeline reference for scband-gpt-oss-decoder-layer-55542517071893 (READ-ONLY COPY).

The authoritative reference and input builder live on the scoring server;
editing this copy changes nothing except your own understanding.
"""

import jax, jax.numpy as jnp
import numpy as np

B, S, D = 1, 2048, 768
H, KV, DH = 12, 4, 64
E, TOPK, FF = 8, 2, 768
EPS = 1e-5
THETA = 150000.0
ALPHA = 1.702
LIMIT = 7.0


def setup_inputs(seed: int = 0):
    key = jax.random.key(seed)
    ks = jax.random.split(key, 16)
    s = 0.02
    return {
        "hidden_states": jax.random.normal(ks[0], (B, S, D), jnp.float32),
        "ln1_w": jnp.ones((D,), jnp.float32),
        "wq": jax.random.normal(ks[1], (D, H * DH), jnp.float32) * s,
        "bq": jnp.zeros((H * DH,), jnp.float32),
        "wk": jax.random.normal(ks[2], (D, KV * DH), jnp.float32) * s,
        "bk": jnp.zeros((KV * DH,), jnp.float32),
        "wv": jax.random.normal(ks[3], (D, KV * DH), jnp.float32) * s,
        "bv": jnp.zeros((KV * DH,), jnp.float32),
        "wo": jax.random.normal(ks[4], (H * DH, D), jnp.float32) * s,
        "bo": jnp.zeros((D,), jnp.float32),
        "sinks": jax.random.normal(ks[5], (H,), jnp.float32),
        "ln2_w": jnp.ones((D,), jnp.float32),
        "router_w": jax.random.normal(ks[6], (E, D), jnp.float32) * s,
        "router_b": jnp.zeros((E,), jnp.float32),
        "gate_up_proj": jax.random.normal(ks[7], (E, D, 2 * FF), jnp.float32) * s,
        "gate_up_bias": jnp.zeros((E, 2 * FF), jnp.float32),
        "down_proj": jax.random.normal(ks[8], (E, FF, D), jnp.float32) * s,
        "down_bias": jnp.zeros((E, D), jnp.float32),
    }


def _rms(x, w):
    v = jnp.mean(jnp.square(x), axis=-1, keepdims=True)
    return x * jax.lax.rsqrt(v + EPS) * w


def _rope_tables():
    inv = 1.0 / (THETA ** (jnp.arange(0, DH, 2, dtype=jnp.float32) / DH))
    t = jnp.arange(S, dtype=jnp.float32)
    f = jnp.outer(t, inv)
    return jnp.cos(f), jnp.sin(f)


def _apply_rope(x, cos, sin):
    x1 = x[..., : DH // 2]
    x2 = x[..., DH // 2 :]
    c = cos[None, :, None, :]
    sn = sin[None, :, None, :]
    return jnp.concatenate([x1 * c - x2 * sn, x2 * c + x1 * sn], axis=-1)


def _forward(hidden_states, ln1_w, wq, bq, wk, bk, wv, bv, wo, bo, sinks, ln2_w,
             router_w, router_b, gate_up_proj, gate_up_bias, down_proj, down_bias):
    # --- attention block (GPT-OSS style: RMSNorm -> GQA attn with RoPE and sinks) ---
    res = hidden_states
    x = _rms(hidden_states, ln1_w)
    q = (x @ wq + bq).reshape(B, S, H, DH)
    k = (x @ wk + bk).reshape(B, S, KV, DH)
    v = (x @ wv + bv).reshape(B, S, KV, DH)
    cos, sin = _rope_tables()
    q = _apply_rope(q, cos, sin)
    k = _apply_rope(k, cos, sin)
    rep = H // KV
    k = jnp.repeat(k, rep, axis=2)
    v = jnp.repeat(v, rep, axis=2)
    logits = jnp.einsum("bshd,bthd->bhst", q, k) / jnp.sqrt(jnp.float32(DH))
    causal = jnp.tril(jnp.ones((S, S), dtype=bool))
    logits = jnp.where(causal[None, None, :, :], logits, -1e9)
    sink = jnp.broadcast_to(sinks[None, :, None, None], (B, H, S, 1))
    probs = jax.nn.softmax(jnp.concatenate([logits, sink], axis=-1), axis=-1)[..., :S]
    attn = jnp.einsum("bhst,bthd->bshd", probs, v).reshape(B, S, H * DH)
    h = res + attn @ wo + bo
    # --- MoE block: router top-k softmax + interleaved gate_up experts ---
    res2 = h
    x2 = _rms(h, ln2_w).reshape(B * S, D)
    rl = x2 @ router_w.T + router_b
    topv, topi = jax.lax.top_k(rl, TOPK)
    tw = jax.nn.softmax(topv, axis=-1)
    T = B * S
    scores = jnp.zeros((T, E), jnp.float32).at[jnp.arange(T)[:, None], topi].set(tw)
    gu = jnp.einsum("td,edf->etf", x2, gate_up_proj) + gate_up_bias[:, None, :]
    gate = gu[..., 0::2]
    up = gu[..., 1::2]
    gate = jnp.minimum(gate, LIMIT)
    up = jnp.clip(up, -LIMIT, LIMIT)
    glu = gate * jax.nn.sigmoid(gate * ALPHA)
    act = (up + 1.0) * glu
    oute = jnp.einsum("etf,efd->etd", act, down_proj) + down_bias[:, None, :]
    moe = jnp.einsum("te,etd->td", scores, oute)
    return res2 + moe.reshape(B, S, D)


def reference(hidden_states, ln1_w, wq, bq, wk, bk, wv, bv, wo, bo, sinks, ln2_w,
              router_w, router_b, gate_up_proj, gate_up_bias, down_proj, down_bias):
    return _forward(hidden_states, ln1_w, wq, bq, wk, bk, wv, bv, wo, bo, sinks,
                    ln2_w, router_w, router_b, gate_up_proj, gate_up_bias,
                    down_proj, down_bias)

if __name__ == "__main__":
    import jax
    _d = setup_inputs()
    print(jax.jit(kernel)(*tuple(_d.values())))

</pallas_src>

<mosaic_0001>
#map = affine_map<(d0, d1) -> (0)>
#map1 = affine_map<(d0, d1) -> (0, 0)>
module attributes {stable_mosaic.version = 14 : i64} {
  func.func @_sc_combine_body(%arg0: i32, %arg1: i32, %arg2: memref<2048xi32, #tpu.memory_space<hbm>>, %arg3: memref<2048xi32, #tpu.memory_space<hbm>>, %arg4: memref<5120x768xf32, #tpu.memory_space<hbm>>, %arg5: memref<2048x768xf32, #tpu.memory_space<hbm>>, %arg6: memref<2048x768xf32, #tpu.memory_space<hbm>>, %arg7: memref<32xi32, #tpu.memory_space<vmem>>, %arg8: memref<32x768xf32, #tpu.memory_space<vmem>>, %arg9: memref<!tpu.dma_semaphore, #tpu.memory_space<semaphore_mem>>) attributes {dimension_semantics = [#tpu.dimension_semantics<core_parallel>, #tpu.dimension_semantics<subcore_parallel>], iteration_bounds = array<i64: 2, 16>, scalar_prefetch = 0 : i64, scratch_operands = 3 : i64, tpu.core_type = #tpu.core_type<sc_vector_subcore>, window_params = [{transform_indices = #map}, {transform_indices = #map}, {transform_indices = #map1}, {transform_indices = #map1}, {transform_indices = #map1}]} {
    %mul3A = arith.constant 2 : i32
    %mul3A_0 = arith.muli %arg1, %mul3A : i32
    %add3A = arith.addi %mul3A_0, %arg0 : i32
    %scan3A = arith.constant 0 : i32
    %scan3A_1 = arith.constant 0 : i32
    %scan3A_2 = arith.constant 2 : i32
    %scan3A_3 = arith.addi %scan3A_1, %scan3A_2 : i32
    %scan3A_4 = arith.constant 1 : i32
    scf.for %scan3A_6 = %scan3A_1 to %scan3A_3 step %scan3A_4  : i32 {
      %mul3A_7 = arith.constant 64 : i32
      %mul3A_8 = arith.muli %add3A, %mul3A_7 : i32
      %mul3A_9 = arith.constant 32 : i32
      %mul3A_10 = arith.muli %scan3A_6, %mul3A_9 : i32
      %add3A_11 = arith.addi %mul3A_8, %mul3A_10 : i32
      %multiple_of3A = tpu.assume_multiple %add3A_11, 32 : i32
      "tpu.region"() ({
        %run_scoped3A = tpu.sem_alloc : memref<!tpu.dma_semaphore, #tpu.memory_space<semaphore_mem>>
        %dma_start3A_22 = tpu.memref_slice %arg2[%multiple_of3A] : memref<2048xi32, #tpu.memory_space<hbm>> -> memref<32xi32, #tpu.memory_space<hbm>>
        %dma_start3A_23 = tpu.memref_slice %arg2[%multiple_of3A] : memref<2048xi32, #tpu.memory_space<hbm>> -> memref<32xi32, #tpu.memory_space<hbm>>
        tpu.enqueue_dma source(%dma_start3A_23 : memref<32xi32, #tpu.memory_space<hbm>>) target(%arg7 : memref<32xi32, #tpu.memory_space<vmem>>) target_semaphore(%run_scoped3A : memref<!tpu.dma_semaphore, #tpu.memory_space<semaphore_mem>>)
        %dma_wait3A_24 = tpu.memref_slice %arg2[%multiple_of3A] : memref<2048xi32, #tpu.memory_space<hbm>> -> memref<32xi32, #tpu.memory_space<hbm>>
        %dma_wait3A_25 = tpu.memref_slice %arg2[%multiple_of3A] : memref<2048xi32, #tpu.memory_space<hbm>> -> memref<32xi32, #tpu.memory_space<hbm>>
        tpu.wait_dma2 semaphore(%run_scoped3A : memref<!tpu.dma_semaphore, #tpu.memory_space<semaphore_mem>>) src(%dma_wait3A_25 : memref<32xi32, #tpu.memory_space<hbm>>) dst(%arg7 : memref<32xi32, #tpu.memory_space<vmem>>)
        tpu.yield
      }) : () -> ()
      %dma_start3A = arith.constant 0 : i32
      %dma_start3A_12 = arith.constant 0 : i32
      %dma_start3A_13 = tpu.memref_slice %arg4[%dma_start3A, %dma_start3A_12] : memref<5120x768xf32, #tpu.memory_space<hbm>> -> memref<5120x768xf32, #tpu.memory_space<hbm>>
      tpu.enqueue_indirect_dma source(%dma_start3A_13 : memref<5120x768xf32, #tpu.memory_space<hbm>>) target(%arg8 : memref<32x768xf32, #tpu.memory_space<vmem>>) offsets(%arg7 : memref<32xi32, #tpu.memory_space<vmem>>) semaphore(%arg9 : memref<!tpu.dma_semaphore, #tpu.memory_space<semaphore_mem>>)
      %dma_wait3A = arith.constant 0 : i32
      %dma_wait3A_14 = arith.constant 0 : i32
      %dma_wait3A_15 = tpu.memref_slice %arg4[%dma_wait3A, %dma_wait3A_14] : memref<5120x768xf32, #tpu.memory_space<hbm>> -> memref<5120x768xf32, #tpu.memory_space<hbm>>
      tpu.wait_indirect_dma semaphore(%arg9 : memref<!tpu.dma_semaphore, #tpu.memory_space<semaphore_mem>>) src(%dma_wait3A_15 : memref<5120x768xf32, #tpu.memory_space<hbm>>) dst(%arg8 : memref<32x768xf32, #tpu.memory_space<vmem>>)
      "tpu.region"() ({
        %run_scoped3A = tpu.sem_alloc : memref<!tpu.dma_semaphore, #tpu.memory_space<semaphore_mem>>
        %dma_start3A_22 = arith.constant 0 : i32
        %dma_start3A_23 = tpu.memref_slice %arg5[%multiple_of3A, %dma_start3A_22] : memref<2048x768xf32, #tpu.memory_space<hbm>> -> memref<32x768xf32, #tpu.memory_space<hbm>>
        %dma_start3A_24 = arith.constant 0 : i32
        %dma_start3A_25 = tpu.memref_slice %arg5[%multiple_of3A, %dma_start3A_24] : memref<2048x768xf32, #tpu.memory_space<hbm>> -> memref<32x768xf32, #tpu.memory_space<hbm>>
        tpu.enqueue_dma source(%arg8 : memref<32x768xf32, #tpu.memory_space<vmem>>) target(%dma_start3A_25 : memref<32x768xf32, #tpu.memory_space<hbm>>) target_semaphore(%run_scoped3A : memref<!tpu.dma_semaphore, #tpu.memory_space<semaphore_mem>>)
        %dma_wait3A_26 = arith.constant 0 : i32
        %dma_wait3A_27 = tpu.memref_slice %arg5[%multiple_of3A, %dma_wait3A_26] : memref<2048x768xf32, #tpu.memory_space<hbm>> -> memref<32x768xf32, #tpu.memory_space<hbm>>
        %dma_wait3A_28 = arith.constant 0 : i32
        %dma_wait3A_29 = tpu.memref_slice %arg5[%multiple_of3A, %dma_wait3A_28] : memref<2048x768xf32, #tpu.memory_space<hbm>> -> memref<32x768xf32, #tpu.memory_space<hbm>>
        tpu.wait_dma2 semaphore(%run_scoped3A : memref<!tpu.dma_semaphore, #tpu.memory_space<semaphore_mem>>) src(%arg8 : memref<32x768xf32, #tpu.memory_space<vmem>>) dst(%dma_wait3A_29 : memref<32x768xf32, #tpu.memory_space<hbm>>)
        tpu.yield
      }) : () -> ()
      "tpu.region"() ({
        %run_scoped3A = tpu.sem_alloc : memref<!tpu.dma_semaphore, #tpu.memory_space<semaphore_mem>>
        %dma_start3A_22 = tpu.memref_slice %arg3[%multiple_of3A] : memref<2048xi32, #tpu.memory_space<hbm>> -> memref<32xi32, #tpu.memory_space<hbm>>
        %dma_start3A_23 = tpu.memref_slice %arg3[%multiple_of3A] : memref<2048xi32, #tpu.memory_space<hbm>> -> memref<32xi32, #tpu.memory_space<hbm>>
        tpu.enqueue_dma source(%dma_start3A_23 : memref<32xi32, #tpu.memory_space<hbm>>) target(%arg7 : memref<32xi32, #tpu.memory_space<vmem>>) target_semaphore(%run_scoped3A : memref<!tpu.dma_semaphore, #tpu.memory_space<semaphore_mem>>)
        %dma_wait3A_24 = tpu.memref_slice %arg3[%multiple_of3A] : memref<2048xi32, #tpu.memory_space<hbm>> -> memref<32xi32, #tpu.memory_space<hbm>>
        %dma_wait3A_25 = tpu.memref_slice %arg3[%multiple_of3A] : memref<2048xi32, #tpu.memory_space<hbm>> -> memref<32xi32, #tpu.memory_space<hbm>>
        tpu.wait_dma2 semaphore(%run_scoped3A : memref<!tpu.dma_semaphore, #tpu.memory_space<semaphore_mem>>) src(%dma_wait3A_25 : memref<32xi32, #tpu.memory_space<hbm>>) dst(%arg7 : memref<32xi32, #tpu.memory_space<vmem>>)
        tpu.yield
      }) : () -> ()
      %dma_start3A_16 = arith.constant 0 : i32
      %dma_start3A_17 = arith.constant 0 : i32
      %dma_start3A_18 = tpu.memref_slice %arg4[%dma_start3A_16, %dma_start3A_17] : memref<5120x768xf32, #tpu.memory_space<hbm>> -> memref<5120x768xf32, #tpu.memory_space<hbm>>
      tpu.enqueue_indirect_dma source(%dma_start3A_18 : memref<5120x768xf32, #tpu.memory_space<hbm>>) target(%arg8 : memref<32x768xf32, #tpu.memory_space<vmem>>) offsets(%arg7 : memref<32xi32, #tpu.memory_space<vmem>>) semaphore(%arg9 : memref<!tpu.dma_semaphore, #tpu.memory_space<semaphore_mem>>)
      %dma_wait3A_19 = arith.constant 0 : i32
      %dma_wait3A_20 = arith.constant 0 : i32
      %dma_wait3A_21 = tpu.memref_slice %arg4[%dma_wait3A_19, %dma_wait3A_20] : memref<5120x768xf32, #tpu.memory_space<hbm>> -> memref<5120x768xf32, #tpu.memory_space<hbm>>
      tpu.wait_indirect_dma semaphore(%arg9 : memref<!tpu.dma_semaphore, #tpu.memory_space<semaphore_mem>>) src(%dma_wait3A_21 : memref<5120x768xf32, #tpu.memory_space<hbm>>) dst(%arg8 : memref<32x768xf32, #tpu.memory_space<vmem>>)
      "tpu.region"() ({
        %run_scoped3A = tpu.sem_alloc : memref<!tpu.dma_semaphore, #tpu.memory_space<semaphore_mem>>
        %dma_start3A_22 = arith.constant 0 : i32
        %dma_start3A_23 = tpu.memref_slice %arg6[%multiple_of3A, %dma_start3A_22] : memref<2048x768xf32, #tpu.memory_space<hbm>> -> memref<32x768xf32, #tpu.memory_space<hbm>>
        %dma_start3A_24 = arith.constant 0 : i32
        %dma_start3A_25 = tpu.memref_slice %arg6[%multiple_of3A, %dma_start3A_24] : memref<2048x768xf32, #tpu.memory_space<hbm>> -> memref<32x768xf32, #tpu.memory_space<hbm>>
        tpu.enqueue_dma source(%arg8 : memref<32x768xf32, #tpu.memory_space<vmem>>) target(%dma_start3A_25 : memref<32x768xf32, #tpu.memory_space<hbm>>) target_semaphore(%run_scoped3A : memref<!tpu.dma_semaphore, #tpu.memory_space<semaphore_mem>>)
        %dma_wait3A_26 = arith.constant 0 : i32
        %dma_wait3A_27 = tpu.memref_slice %arg6[%multiple_of3A, %dma_wait3A_26] : memref<2048x768xf32, #tpu.memory_space<hbm>> -> memref<32x768xf32, #tpu.memory_space<hbm>>
        %dma_wait3A_28 = arith.constant 0 : i32
        %dma_wait3A_29 = tpu.memref_slice %arg6[%multiple_of3A, %dma_wait3A_28] : memref<2048x768xf32, #tpu.memory_space<hbm>> -> memref<32x768xf32, #tpu.memory_space<hbm>>
        tpu.wait_dma2 semaphore(%run_scoped3A : memref<!tpu.dma_semaphore, #tpu.memory_space<semaphore_mem>>) src(%arg8 : memref<32x768xf32, #tpu.memory_space<vmem>>) dst(%dma_wait3A_29 : memref<32x768xf32, #tpu.memory_space<hbm>>)
        tpu.yield
      }) : () -> ()
    }
    %scan3A_5 = arith.constant 2 : i32
    return
  }
}

#map = affine_map<(d0, d1) -> (0)>
module attributes {stable_mosaic.version = 14 : i64} {
  func.func @body(%arg0: i32, %arg1: i32, %arg2: memref<2048xi32, #tpu.memory_space<hbm>>, %arg3: memref<2048xi32, #tpu.memory_space<hbm>>, %arg4: memref<5120xi32, #tpu.memory_space<hbm>>, %arg5: memref<2048xi32, #tpu.memory_space<hbm>>, %arg6: memref<2048xi32, #tpu.memory_space<hbm>>, %arg7: memref<48xi32, #tpu.memory_space<hbm>>, %arg8: memref<2048xi32, #tpu.memory_space<vmem>>, %arg9: memref<2048xi32, #tpu.memory_space<vmem>>, %arg10: memref<5120xi32, #tpu.memory_space<vmem>>, %arg11: memref<2048xi32, #tpu.memory_space<vmem>>, %arg12: memref<2048xi32, #tpu.memory_space<vmem>>, %arg13: memref<16xi32, #tpu.memory_space<vmem>>, %arg14: memref<32xi32, #tpu.memory_space<vmem>>, %arg15: memref<16xi32, #tpu.memory_space<vmem>>, %arg16: memref<48xi32, #tpu.memory_space<vmem>>) attributes {dimension_semantics = [#tpu.dimension_semantics<core_parallel>, #tpu.dimension_semantics<subcore_parallel>], iteration_bounds = array<i64: 2, 16>, scalar_prefetch = 0 : i64, scratch_operands = 9 : i64, tpu.core_type = #tpu.core_type<sc_vector_subcore>, window_params = [{transform_indices = #map}, {transform_indices = #map}, {transform_indices = #map}, {transform_indices = #map}, {transform_indices = #map}, {transform_indices = #map}]} {
    %mul3A = arith.constant 2 : i32
    %mul3A_0 = arith.muli %arg1, %mul3A : i32
    %add3A = arith.addi %mul3A_0, %arg0 : i32
    %eq3A = arith.constant 0 : i32
    %eq3A_1 = arith.cmpi eq, %add3A, %eq3A : i32
    %convert_element_type3A = arith.extui %eq3A_1 : i1 to i32
    %cond3A = arith.constant 0 : i32
    %cond3A_2 = arith.cmpi ne, %convert_element_type3A, %cond3A : i32
    scf.if %cond3A_2 {
      "tpu.region"() ({
        %run_scoped3A = tpu.sem_alloc : memref<!tpu.dma_semaphore, #tpu.memory_space<semaphore_mem>>
        tpu.enqueue_dma source(%arg2 : memref<2048xi32, #tpu.memory_space<hbm>>) target(%arg8 : memref<2048xi32, #tpu.memory_space<vmem>>) target_semaphore(%run_scoped3A : memref<!tpu.dma_semaphore, #tpu.memory_space<semaphore_mem>>)
        tpu.wait_dma2 semaphore(%run_scoped3A : memref<!tpu.dma_semaphore, #tpu.memory_space<semaphore_mem>>) src(%arg2 : memref<2048xi32, #tpu.memory_space<hbm>>) dst(%arg8 : memref<2048xi32, #tpu.memory_space<vmem>>)
        tpu.yield
      }) : () -> ()
      "tpu.region"() ({
        %run_scoped3A = tpu.sem_alloc : memref<!tpu.dma_semaphore, #tpu.memory_space<semaphore_mem>>
        tpu.enqueue_dma source(%arg3 : memref<2048xi32, #tpu.memory_space<hbm>>) target(%arg9 : memref<2048xi32, #tpu.memory_space<vmem>>) target_semaphore(%run_scoped3A : memref<!tpu.dma_semaphore, #tpu.memory_space<semaphore_mem>>)
        tpu.wait_dma2 semaphore(%run_scoped3A : memref<!tpu.dma_semaphore, #tpu.memory_space<semaphore_mem>>) src(%arg3 : memref<2048xi32, #tpu.memory_space<hbm>>) dst(%arg9 : memref<2048xi32, #tpu.memory_space<vmem>>)
        tpu.yield
      }) : () -> ()
      %broadcast_in_dim3A = arith.constant 0 : i32
      %broadcast_in_dim3A_3 = vector.broadcast %broadcast_in_dim3A : i32 to vector<16xi32>
      %broadcast_in_dim3A_4 = arith.constant 1 : i32
      %broadcast_in_dim3A_5 = vector.broadcast %broadcast_in_dim3A_4 : i32 to vector<16xi32>
      %broadcast_in_dim3A_6 = arith.constant 7 : i32
      %broadcast_in_dim3A_7 = vector.broadcast %broadcast_in_dim3A_6 : i32 to vector<16xi32>
      %broadcast_in_dim3A_8 = arith.constant 7 : i32
      %broadcast_in_dim3A_9 = vector.broadcast %broadcast_in_dim3A_8 : i32 to vector<16xi32>
      %broadcast_in_dim3A_10 = arith.constant 128 : i32
      %broadcast_in_dim3A_11 = vector.broadcast %broadcast_in_dim3A_10 : i32 to vector<16xi32>
      %iota3A = tpu.iota {dimensions = array<i32: 0>} : vector<16xi32>
      %swap3A = arith.constant 0 : index
      %swap3A_12 = tpu.vector_load %arg13[%swap3A] {strides = array<i32>} : memref<16xi32, #tpu.memory_space<vmem>>, vector<16xi32>,
      tpu.vector_store %arg13[%swap3A], %broadcast_in_dim3A_3 {strides = array<i32>} : memref<16xi32, #tpu.memory_space<vmem>>, vector<16xi32>,
      %scan3A = arith.constant 0 : i32
      %scan3A_13 = arith.constant 0 : i32
      %scan3A_14 = arith.constant 320 : i32
      %scan3A_15 = arith.addi %scan3A_13, %scan3A_14 : i32
      %scan3A_16 = arith.constant 1 : i32
      scf.for %scan3A_203 = %scan3A_13 to %scan3A_15 step %scan3A_16  : i32 {
        %mul3A_204 = arith.constant 16 : i32
        %mul3A_205 = arith.muli %scan3A_203, %mul3A_204 : i32
        %swap3A_206 = arith.index_cast %mul3A_205 : i32 to index
        %swap3A_207 = tpu.vector_load %arg10[%swap3A_206] {strides = array<i32>} : memref<5120xi32, #tpu.memory_space<vmem>>, vector<16xi32>,
        tpu.vector_store %arg10[%swap3A_206], %broadcast_in_dim3A_3 {strides = array<i32>} : memref<5120xi32, #tpu.memory_space<vmem>>, vector<16xi32>,
      }
      %scan3A_17 = arith.constant 320 : i32
      %scan3A_18 = arith.constant 0 : i32
      %scan3A_19 = arith.constant 0 : i32
      %scan3A_20 = arith.constant 128 : i32
      %scan3A_21 = arith.addi %scan3A_19, %scan3A_20 : i32
      %scan3A_22 = arith.constant 1 : i32
      scf.for %scan3A_203 = %scan3A_19 to %scan3A_21 step %scan3A_22  : i32 {
        %mul3A_204 = arith.constant 16 : i32
        %mul3A_205 = arith.muli %scan3A_203, %mul3A_204 : i32
        %get3A_206 = arith.index_cast %mul3A_205 : i32 to index
        %get3A_207 = tpu.vector_load %arg8[%get3A_206] {strides = array<i32>} : memref<2048xi32, #tpu.memory_space<vmem>>, vector<16xi32>,
        tpu.vector_store_idx %arg13[%get3A_207], %broadcast_in_dim3A_5 {add = true} : memref<16xi32, #tpu.memory_space<vmem>>[vector<16xi32>], vector<16xi32>,
        %mul3A_208 = arith.constant 16 : i32
        %mul3A_209 = arith.muli %scan3A_203, %mul3A_208 : i32
        %get3A_210 = arith.index_cast %mul3A_209 : i32 to index
        %get3A_211 = tpu.vector_load %arg9[%get3A_210] {strides = array<i32>} : memref<2048xi32, #tpu.memory_space<vmem>>, vector<16xi32>,
        tpu.vector_store_idx %arg13[%get3A_211], %broadcast_in_dim3A_5 {add = true} : memref<16xi32, #tpu.memory_space<vmem>>[vector<16xi32>], vector<16xi32>,
      }
      %scan3A_23 = arith.constant 128 : i32
      %get3A = arith.constant 0 : index
      %get3A_24 = tpu.vector_load %arg13[%get3A] {strides = array<i32>} : memref<16xi32, #tpu.memory_space<vmem>>, vector<16xi32>,
      %broadcast_in_dim3A_25 = arith.constant 127 : i32
      %broadcast_in_dim3A_26 = vector.broadcast %broadcast_in_dim3A_25 : i32 to vector<16xi32>
      %add3A_27 = arith.addi %get3A_24, %broadcast_in_dim3A_26 : vector<16xi32>
      %shift_right_arithmetic3A = arith.shrsi %add3A_27, %broadcast_in_dim3A_7 : vector<16xi32>
      %shift_left3A = arith.shli %shift_right_arithmetic3A, %broadcast_in_dim3A_7 : vector<16xi32>
      %broadcast_in_dim3A_28 = arith.constant true
      %broadcast_in_dim3A_29 = vector.broadcast %broadcast_in_dim3A_28 : i1 to vector<16xi1>
      %masked_cumsum3A = tpu.scan <sum>, %shift_left3A masked %broadcast_in_dim3A_29 : vector<16xi32>, vector<16xi1> -> vector<16xi32>
      %broadcast_in_dim3A_30 = arith.constant 8 : i32
      %broadcast_in_dim3A_31 = vector.broadcast %broadcast_in_dim3A_30 : i32 to vector<16xi32>
      %add3A_32 = arith.addi %iota3A, %broadcast_in_dim3A_31 : vector<16xi32>
      tpu.vector_store_idx %arg14[%add3A_32], %masked_cumsum3A : memref<32xi32, #tpu.memory_space<vmem>>[vector<16xi32>], vector<16xi32>,
      %sub3A = arith.subi %masked_cumsum3A, %shift_left3A : vector<16xi32>
      %swap3A_33 = arith.constant 0 : index
      %swap3A_34 = tpu.vector_load %arg15[%swap3A_33] {strides = array<i32>} : memref<16xi32, #tpu.memory_space<vmem>>, vector<16xi32>,
      tpu.vector_store %arg15[%swap3A_33], %sub3A {strides = array<i32>} : memref<16xi32, #tpu.memory_space<vmem>>, vector<16xi32>,
      %broadcast_in_dim3A_35 = arith.constant 0 : i32
      %broadcast_in_dim3A_36 = vector.broadcast %broadcast_in_dim3A_35 : i32 to vector<16xi32>
      %add3A_37 = arith.addi %iota3A, %broadcast_in_dim3A_36 : vector<16xi32>
      %mul3A_38 = arith.muli %add3A_37, %broadcast_in_dim3A_11 : vector<16xi32>
      %broadcast_in_dim3A_39 = arith.constant 8 : i32
      %broadcast_in_dim3A_40 = vector.broadcast %broadcast_in_dim3A_39 : i32 to vector<16xi32>
      %gather3A = tpu.vector_load_idx %arg14[%broadcast_in_dim3A_40] : memref<32xi32, #tpu.memory_space<vmem>>[vector<16xi32>], vector<16xi32>,
      %ge3A = arith.cmpi sge, %mul3A_38, %gather3A : vector<16xi32>
      %convert_element_type3A_41 = arith.extui %ge3A : vector<16xi1> to vector<16xi32>
      %add3A_42 = arith.addi %broadcast_in_dim3A_3, %convert_element_type3A_41 : vector<16xi32>
      %broadcast_in_dim3A_43 = arith.constant 9 : i32
      %broadcast_in_dim3A_44 = vector.broadcast %broadcast_in_dim3A_43 : i32 to vector<16xi32>
      %gather3A_45 = tpu.vector_load_idx %arg14[%broadcast_in_dim3A_44] : memref<32xi32, #tpu.memory_space<vmem>>[vector<16xi32>], vector<16xi32>,
      %ge3A_46 = arith.cmpi sge, %mul3A_38, %gather3A_45 : vector<16xi32>
      %convert_element_type3A_47 = arith.extui %ge3A_46 : vector<16xi1> to vector<16xi32>
      %add3A_48 = arith.addi %add3A_42, %convert_element_type3A_47 : vector<16xi32>
      %broadcast_in_dim3A_49 = arith.constant 10 : i32
      %broadcast_in_dim3A_50 = vector.broadcast %broadcast_in_dim3A_49 : i32 to vector<16xi32>
      %gather3A_51 = tpu.vector_load_idx %arg14[%broadcast_in_dim3A_50] : memref<32xi32, #tpu.memory_space<vmem>>[vector<16xi32>], vector<16xi32>,
      %ge3A_52 = arith.cmpi sge, %mul3A_38, %gather3A_51 : vector<16xi32>
      %convert_element_type3A_53 = arith.extui %ge3A_52 : vector<16xi1> to vector<16xi32>
      %add3A_54 = arith.addi %add3A_48, %convert_element_type3A_53 : vector<16xi32>
      %broadcast_in_dim3A_55 = arith.constant 11 : i32
      %broadcast_in_dim3A_56 = vector.broadcast %broadcast_in_dim3A_55 : i32 to vector<16xi32>
      %gather3A_57 = tpu.vector_load_idx %arg14[%broadcast_in_dim3A_56] : memref<32xi32, #tpu.memory_space<vmem>>[vector<16xi32>], vector<16xi32>,
      %ge3A_58 = arith.cmpi sge, %mul3A_38, %gather3A_57 : vector<16xi32>
      %convert_element_type3A_59 = arith.extui %ge3A_58 : vector<16xi1> to vector<16xi32>
      %add3A_60 = arith.addi %add3A_54, %convert_element_type3A_59 : vector<16xi32>
      %broadcast_in_dim3A_61 = arith.constant 12 : i32
      %broadcast_in_dim3A_62 = vector.broadcast %broadcast_in_dim3A_61 : i32 to vector<16xi32>
      %gather3A_63 = tpu.vector_load_idx %arg14[%broadcast_in_dim3A_62] : memref<32xi32, #tpu.memory_space<vmem>>[vector<16xi32>], vector<16xi32>,
      %ge3A_64 = arith.cmpi sge, %mul3A_38, %gather3A_63 : vector<16xi32>
      %convert_element_type3A_65 = arith.extui %ge3A_64 : vector<16xi1> to vector<16xi32>
      %add3A_66 = arith.addi %add3A_60, %convert_element_type3A_65 : vector<16xi32>
      %broadcast_in_dim3A_67 = arith.constant 13 : i32
      %broadcast_in_dim3A_68 = vector.broadcast %broadcast_in_dim3A_67 : i32 to vector<16xi32>
      %gather3A_69 = tpu.vector_load_idx %arg14[%broadcast_in_dim3A_68] : memref<32xi32, #tpu.memory_space<vmem>>[vector<16xi32>], vector<16xi32>,
      %ge3A_70 = arith.cmpi sge, %mul3A_38, %gather3A_69 : vector<16xi32>
      %convert_element_type3A_71 = arith.extui %ge3A_70 : vector<16xi1> to vector<16xi32>
      %add3A_72 = arith.addi %add3A_66, %convert_element_type3A_71 : vector<16xi32>
      %broadcast_in_dim3A_73 = arith.constant 14 : i32
      %broadcast_in_dim3A_74 = vector.broadcast %broadcast_in_dim3A_73 : i32 to vector<16xi32>
      %gather3A_75 = tpu.vector_load_idx %arg14[%broadcast_in_dim3A_74] : memref<32xi32, #tpu.memory_space<vmem>>[vector<16xi32>], vector<16xi32>,
      %ge3A_76 = arith.cmpi sge, %mul3A_38, %gather3A_75 : vector<16xi32>
      %convert_element_type3A_77 = arith.extui %ge3A_76 : vector<16xi1> to vector<16xi32>
      %add3A_78 = arith.addi %add3A_72, %convert_element_type3A_77 : vector<16xi32>
      %broadcast_in_dim3A_79 = arith.constant 15 : i32
      %broadcast_in_dim3A_80 = vector.broadcast %broadcast_in_dim3A_79 : i32 to vector<16xi32>
      %gather3A_81 = tpu.vector_load_idx %arg14[%broadcast_in_dim3A_80] : memref<32xi32, #tpu.memory_space<vmem>>[vector<16xi32>], vector<16xi32>,
      %ge3A_82 = arith.cmpi sge, %mul3A_38, %gather3A_81 : vector<16xi32>
      %convert_element_type3A_83 = arith.extui %ge3A_82 : vector<16xi1> to vector<16xi32>
      %add3A_84 = arith.addi %add3A_78, %convert_element_type3A_83 : vector<16xi32>
      %min3A = arith.minsi %add3A_84, %broadcast_in_dim3A_9 : vector<16xi32>
      %swap3A_85 = arith.constant 0 : index
      %swap3A_86 = tpu.vector_load %arg16[%swap3A_85] {strides = array<i32>} : memref<48xi32, #tpu.memory_space<vmem>>, vector<16xi32>,
      tpu.vector_store %arg16[%swap3A_85], %min3A {strides = array<i32>} : memref<48xi32, #tpu.memory_space<vmem>>, vector<16xi32>,
      %broadcast_in_dim3A_87 = arith.constant 16 : i32
      %broadcast_in_dim3A_88 = vector.broadcast %broadcast_in_dim3A_87 : i32 to vector<16xi32>
      %add3A_89 = arith.addi %iota3A, %broadcast_in_dim3A_88 : vector<16xi32>
      %mul3A_90 = arith.muli %add3A_89, %broadcast_in_dim3A_11 : vector<16xi32>
      %broadcast_in_dim3A_91 = arith.constant 8 : i32
      %broadcast_in_dim3A_92 = vector.broadcast %broadcast_in_dim3A_91 : i32 to vector<16xi32>
      %gather3A_93 = tpu.vector_load_idx %arg14[%broadcast_in_dim3A_92] : memref<32xi32, #tpu.memory_space<vmem>>[vector<16xi32>], vector<16xi32>,
      %ge3A_94 = arith.cmpi sge, %mul3A_90, %gather3A_93 : vector<16xi32>
      %convert_element_type3A_95 = arith.extui %ge3A_94 : vector<16xi1> to vector<16xi32>
      %add3A_96 = arith.addi %broadcast_in_dim3A_3, %convert_element_type3A_95 : vector<16xi32>
      %broadcast_in_dim3A_97 = arith.constant 9 : i32
      %broadcast_in_dim3A_98 = vector.broadcast %broadcast_in_dim3A_97 : i32 to vector<16xi32>
      %gather3A_99 = tpu.vector_load_idx %arg14[%broadcast_in_dim3A_98] : memref<32xi32, #tpu.memory_space<vmem>>[vector<16xi32>], vector<16xi32>,
      %ge3A_100 = arith.cmpi sge, %mul3A_90, %gather3A_99 : vector<16xi32>
      %convert_element_type3A_101 = arith.extui %ge3A_100 : vector<16xi1> to vector<16xi32>
      %add3A_102 = arith.addi %add3A_96, %convert_element_type3A_101 : vector<16xi32>
      %broadcast_in_dim3A_103 = arith.constant 10 : i32
      %broadcast_in_dim3A_104 = vector.broadcast %broadcast_in_dim3A_103 : i32 to vector<16xi32>
      %gather3A_105 = tpu.vector_load_idx %arg14[%broadcast_in_dim3A_104] : memref<32xi32, #tpu.memory_space<vmem>>[vector<16xi32>], vector<16xi32>,
      %ge3A_106 = arith.cmpi sge, %mul3A_90, %gather3A_105 : vector<16xi32>
      %convert_element_type3A_107 = arith.extui %ge3A_106 : vector<16xi1> to vector<16xi32>
      %add3A_108 = arith.addi %add3A_102, %convert_element_type3A_107 : vector<16xi32>
      %broadcast_in_dim3A_109 = arith.constant 11 : i32
      %broadcast_in_dim3A_110 = vector.broadcast %broadcast_in_dim3A_109 : i32 to vector<16xi32>
      %gather3A_111 = tpu.vector_load_idx %arg14[%broadcast_in_dim3A_110] : memref<32xi32, #tpu.memory_space<vmem>>[vector<16xi32>], vector<16xi32>,
      %ge3A_112 = arith.cmpi sge, %mul3A_90, %gather3A_111 : vector<16xi32>
      %convert_element_type3A_113 = arith.extui %ge3A_112 : vector<16xi1> to vector<16xi32>
      %add3A_114 = arith.addi %add3A_108, %convert_element_type3A_113 : vector<16xi32>
      %broadcast_in_dim3A_115 = arith.constant 12 : i32
      %broadcast_in_dim3A_116 = vector.broadcast %broadcast_in_dim3A_115 : i32 to vector<16xi32>
      %gather3A_117 = tpu.vector_load_idx %arg14[%broadcast_in_dim3A_116] : memref<32xi32, #tpu.memory_space<vmem>>[vector<16xi32>], vector<16xi32>,
      %ge3A_118 = arith.cmpi sge, %mul3A_90, %gather3A_117 : vector<16xi32>
      %convert_element_type3A_119 = arith.extui %ge3A_118 : vector<16xi1> to vector<16xi32>
      %add3A_120 = arith.addi %add3A_114, %convert_element_type3A_119 : vector<16xi32>
      %broadcast_in_dim3A_121 = arith.constant 13 : i32
      %broadcast_in_dim3A_122 = vector.broadcast %broadcast_in_dim3A_121 : i32 to vector<16xi32>
      %gather3A_123 = tpu.vector_load_idx %arg14[%broadcast_in_dim3A_122] : memref<32xi32, #tpu.memory_space<vmem>>[vector<16xi32>], vector<16xi32>,
      %ge3A_124 = arith.cmpi sge, %mul3A_90, %gather3A_123 : vector<16xi32>
      %convert_element_type3A_125 = arith.extui %ge3A_124 : vector<16xi1> to vector<16xi32>
      %add3A_126 = arith.addi %add3A_120, %convert_element_type3A_125 : vector<16xi32>
      %broadcast_in_dim3A_127 = arith.constant 14 : i32
      %broadcast_in_dim3A_128 = vector.broadcast %broadcast_in_dim3A_127 : i32 to vector<16xi32>
      %gather3A_129 = tpu.vector_load_idx %arg14[%broadcast_in_dim3A_128] : memref<32xi32, #tpu.memory_space<vmem>>[vector<16xi32>], vector<16xi32>,
      %ge3A_130 = arith.cmpi sge, %mul3A_90, %gather3A_129 : vector<16xi32>
      %convert_element_type3A_131 = arith.extui %ge3A_130 : vector<16xi1> to vector<16xi32>
      %add3A_132 = arith.addi %add3A_126, %convert_element_type3A_131 : vector<16xi32>
      %broadcast_in_dim3A_133 = arith.constant 15 : i32
      %broadcast_in_dim3A_134 = vector.broadcast %broadcast_in_dim3A_133 : i32 to vector<16xi32>
      %gather3A_135 = tpu.vector_load_idx %arg14[%broadcast_in_dim3A_134] : memref<32xi32, #tpu.memory_space<vmem>>[vector<16xi32>], vector<16xi32>,
      %ge3A_136 = arith.cmpi sge, %mul3A_90, %gather3A_135 : vector<16xi32>
      %convert_element_type3A_137 = arith.extui %ge3A_136 : vector<16xi1> to vector<16xi32>
      %add3A_138 = arith.addi %add3A_132, %convert_element_type3A_137 : vector<16xi32>
      %min3A_139 = arith.minsi %add3A_138, %broadcast_in_dim3A_9 : vector<16xi32>
      %swap3A_140 = arith.constant 16 : index
      %swap3A_141 = tpu.vector_load %arg16[%swap3A_140] {strides = array<i32>} : memref<48xi32, #tpu.memory_space<vmem>>, vector<16xi32>,
      tpu.vector_store %arg16[%swap3A_140], %min3A_139 {strides = array<i32>} : memref<48xi32, #tpu.memory_space<vmem>>, vector<16xi32>,
      %broadcast_in_dim3A_142 = arith.constant 32 : i32
      %broadcast_in_dim3A_143 = vector.broadcast %broadcast_in_dim3A_142 : i32 to vector<16xi32>
      %add3A_144 = arith.addi %iota3A, %broadcast_in_dim3A_143 : vector<16xi32>
      %mul3A_145 = arith.muli %add3A_144, %broadcast_in_dim3A_11 : vector<16xi32>
      %broadcast_in_dim3A_146 = arith.constant 8 : i32
      %broadcast_in_dim3A_147 = vector.broadcast %broadcast_in_dim3A_146 : i32 to vector<16xi32>
      %gather3A_148 = tpu.vector_load_idx %arg14[%broadcast_in_dim3A_147] : memref<32xi32, #tpu.memory_space<vmem>>[vector<16xi32>], vector<16xi32>,
      %ge3A_149 = arith.cmpi sge, %mul3A_145, %gather3A_148 : vector<16xi32>
      %convert_element_type3A_150 = arith.extui %ge3A_149 : vector<16xi1> to vector<16xi32>
      %add3A_151 = arith.addi %broadcast_in_dim3A_3, %convert_element_type3A_150 : vector<16xi32>
      %broadcast_in_dim3A_152 = arith.constant 9 : i32
      %broadcast_in_dim3A_153 = vector.broadcast %broadcast_in_dim3A_152 : i32 to vector<16xi32>
      %gather3A_154 = tpu.vector_load_idx %arg14[%broadcast_in_dim3A_153] : memref<32xi32, #tpu.memory_space<vmem>>[vector<16xi32>], vector<16xi32>,
      %ge3A_155 = arith.cmpi sge, %mul3A_145, %gather3A_154 : vector<16xi32>
      %convert_element_type3A_156 = arith.extui %ge3A_155 : vector<16xi1> to vector<16xi32>
      %add3A_157 = arith.addi %add3A_151, %convert_element_type3A_156 : vector<16xi32>
      %broadcast_in_dim3A_158 = arith.constant 10 : i32
      %broadcast_in_dim3A_159 = vector.broadcast %broadcast_in_dim3A_158 : i32 to vector<16xi32>
      %gather3A_160 = tpu.vector_load_idx %arg14[%broadcast_in_dim3A_159] : memref<32xi32, #tpu.memory_space<vmem>>[vector<16xi32>], vector<16xi32>,
      %ge3A_161 = arith.cmpi sge, %mul3A_145, %gather3A_160 : vector<16xi32>
      %convert_element_type3A_162 = arith.extui %ge3A_161 : vector<16xi1> to vector<16xi32>
      %add3A_163 = arith.addi %add3A_157, %convert_element_type3A_162 : vector<16xi32>
      %broadcast_in_dim3A_164 = arith.constant 11 : i32
      %broadcast_in_dim3A_165 = vector.broadcast %broadcast_in_dim3A_164 : i32 to vector<16xi32>
      %gather3A_166 = tpu.vector_load_idx %arg14[%broadcast_in_dim3A_165] : memref<32xi32, #tpu.memory_space<vmem>>[vector<16xi32>], vector<16xi32>,
      %ge3A_167 = arith.cmpi sge, %mul3A_145, %gather3A_166 : vector<16xi32>
      %convert_element_type3A_168 = arith.extui %ge3A_167 : vector<16xi1> to vector<16xi32>
      %add3A_169 = arith.addi %add3A_163, %convert_element_type3A_168 : vector<16xi32>
      %broadcast_in_dim3A_170 = arith.constant 12 : i32
      %broadcast_in_dim3A_171 = vector.broadcast %broadcast_in_dim3A_170 : i32 to vector<16xi32>
      %gather3A_172 = tpu.vector_load_idx %arg14[%broadcast_in_dim3A_171] : memref<32xi32, #tpu.memory_space<vmem>>[vector<16xi32>], vector<16xi32>,
      %ge3A_173 = arith.cmpi sge, %mul3A_145, %gather3A_172 : vector<16xi32>
      %convert_element_type3A_174 = arith.extui %ge3A_173 : vector<16xi1> to vector<16xi32>
      %add3A_175 = arith.addi %add3A_169, %convert_element_type3A_174 : vector<16xi32>
      %broadcast_in_dim3A_176 = arith.constant 13 : i32
      %broadcast_in_dim3A_177 = vector.broadcast %broadcast_in_dim3A_176 : i32 to vector<16xi32>
      %gather3A_178 = tpu.vector_load_idx %arg14[%broadcast_in_dim3A_177] : memref<32xi32, #tpu.memory_space<vmem>>[vector<16xi32>], vector<16xi32>,
      %ge3A_179 = arith.cmpi sge, %mul3A_145, %gather3A_178 : vector<16xi32>
      %convert_element_type3A_180 = arith.extui %ge3A_179 : vector<16xi1> to vector<16xi32>
      %add3A_181 = arith.addi %add3A_175, %convert_element_type3A_180 : vector<16xi32>
      %broadcast_in_dim3A_182 = arith.constant 14 : i32
      %broadcast_in_dim3A_183 = vector.broadcast %broadcast_in_dim3A_182 : i32 to vector<16xi32>
      %gather3A_184 = tpu.vector_load_idx %arg14[%broadcast_in_dim3A_183] : memref<32xi32, #tpu.memory_space<vmem>>[vector<16xi32>], vector<16xi32>,
      %ge3A_185 = arith.cmpi sge, %mul3A_145, %gather3A_184 : vector<16xi32>
      %convert_element_type3A_186 = arith.extui %ge3A_185 : vector<16xi1> to vector<16xi32>
      %add3A_187 = arith.addi %add3A_181, %convert_element_type3A_186 : vector<16xi32>
      %broadcast_in_dim3A_188 = arith.constant 15 : i32
      %broadcast_in_dim3A_189 = vector.broadcast %broadcast_in_dim3A_188 : i32 to vector<16xi32>
      %gather3A_190 = tpu.vector_load_idx %arg14[%broadcast_in_dim3A_189] : memref<32xi32, #tpu.memory_space<vmem>>[vector<16xi32>], vector<16xi32>,
      %ge3A_191 = arith.cmpi sge, %mul3A_145, %gather3A_190 : vector<16xi32>
      %convert_element_type3A_192 = arith.extui %ge3A_191 : vector<16xi1> to vector<16xi32>
      %add3A_193 = arith.addi %add3A_187, %convert_element_type3A_192 : vector<16xi32>
      %min3A_194 = arith.minsi %add3A_193, %broadcast_in_dim3A_9 : vector<16xi32>
      %swap3A_195 = arith.constant 32 : index
      %swap3A_196 = tpu.vector_load %arg16[%swap3A_195] {strides = array<i32>} : memref<48xi32, #tpu.memory_space<vmem>>, vector<16xi32>,
      tpu.vector_store %arg16[%swap3A_195], %min3A_194 {strides = array<i32>} : memref<48xi32, #tpu.memory_space<vmem>>, vector<16xi32>,
      %scan3A_197 = arith.constant 0 : i32
      %scan3A_198 = arith.constant 0 : i32
      %scan3A_199 = arith.constant 128 : i32
      %scan3A_200 = arith.addi %scan3A_198, %scan3A_199 : i32
      %scan3A_201 = arith.constant 1 : i32
      scf.for %scan3A_203 = %scan3A_198 to %scan3A_200 step %scan3A_201  : i32 {
        %mul3A_204 = arith.constant 16 : i32
        %mul3A_205 = arith.muli %scan3A_203, %mul3A_204 : i32
        %broadcast_in_dim3A_206 = vector.broadcast %mul3A_205 : i32 to vector<16xi32>
        %mul3A_207 = arith.constant 16 : i32
        %mul3A_208 = arith.muli %scan3A_203, %mul3A_207 : i32
        %get3A_209 = arith.index_cast %mul3A_208 : i32 to index
        %get3A_210 = tpu.vector_load %arg8[%get3A_209] {strides = array<i32>} : memref<2048xi32, #tpu.memory_space<vmem>>, vector<16xi32>,
        %gather3A_211 = tpu.vector_load_idx %arg15[%get3A_210] : memref<16xi32, #tpu.memory_space<vmem>>[vector<16xi32>], vector<16xi32>,
        %broadcast_in_dim3A_212 = arith.constant 0 : i32
        %broadcast_in_dim3A_213 = vector.broadcast %broadcast_in_dim3A_212 : i32 to vector<16xi32>
        %eq3A_214 = arith.cmpi eq, %get3A_210, %broadcast_in_dim3A_213 : vector<16xi32>
        %convert_element_type3A_215 = arith.extui %eq3A_214 : vector<16xi1> to vector<16xi32>
        %broadcast_in_dim3A_216 = arith.constant true
        %broadcast_in_dim3A_217 = vector.broadcast %broadcast_in_dim3A_216 : i1 to vector<16xi1>
        %masked_cumsum3A_218 = tpu.scan <sum>, %convert_element_type3A_215 masked %broadcast_in_dim3A_217 : vector<16xi32>, vector<16xi1> -> vector<16xi32>
        %sub3A_219 = arith.subi %masked_cumsum3A_218, %broadcast_in_dim3A_5 : vector<16xi32>
        %select_n3A = arith.select %eq3A_214, %sub3A_219, %broadcast_in_dim3A_3 : vector<16xi1>, vector<16xi32>
        %add3A_220 = arith.addi %broadcast_in_dim3A_3, %select_n3A : vector<16xi32>
        %broadcast_in_dim3A_221 = arith.constant 1 : i32
        %broadcast_in_dim3A_222 = vector.broadcast %broadcast_in_dim3A_221 : i32 to vector<16xi32>
        %eq3A_223 = arith.cmpi eq, %get3A_210, %broadcast_in_dim3A_222 : vector<16xi32>
        %convert_element_type3A_224 = arith.extui %eq3A_223 : vector<16xi1> to vector<16xi32>
        %broadcast_in_dim3A_225 = arith.constant true
        %broadcast_in_dim3A_226 = vector.broadcast %broadcast_in_dim3A_225 : i1 to vector<16xi1>
        %masked_cumsum3A_227 = tpu.scan <sum>, %convert_element_type3A_224 masked %broadcast_in_dim3A_226 : vector<16xi32>, vector<16xi1> -> vector<16xi32>
        %sub3A_228 = arith.subi %masked_cumsum3A_227, %broadcast_in_dim3A_5 : vector<16xi32>
        %select_n3A_229 = arith.select %eq3A_223, %sub3A_228, %broadcast_in_dim3A_3 : vector<16xi1>, vector<16xi32>
        %add3A_230 = arith.addi %add3A_220, %select_n3A_229 : vector<16xi32>
        %broadcast_in_dim3A_231 = arith.constant 2 : i32
        %broadcast_in_dim3A_232 = vector.broadcast %broadcast_in_dim3A_231 : i32 to vector<16xi32>
        %eq3A_233 = arith.cmpi eq, %get3A_210, %broadcast_in_dim3A_232 : vector<16xi32>
        %convert_element_type3A_234 = arith.extui %eq3A_233 : vector<16xi1> to vector<16xi32>
        %broadcast_in_dim3A_235 = arith.constant true
        %broadcast_in_dim3A_236 = vector.broadcast %broadcast_in_dim3A_235 : i1 to vector<16xi1>
        %masked_cumsum3A_237 = tpu.scan <sum>, %convert_element_type3A_234 masked %broadcast_in_dim3A_236 : vector<16xi32>, vector<16xi1> -> vector<16xi32>
        %sub3A_238 = arith.subi %masked_cumsum3A_237, %broadcast_in_dim3A_5 : vector<16xi32>
        %select_n3A_239 = arith.select %eq3A_233, %sub3A_238, %broadcast_in_dim3A_3 : vector<16xi1>, vector<16xi32>
        %add3A_240 = arith.addi %add3A_230, %select_n3A_239 : vector<16xi32>
        %broadcast_in_dim3A_241 = arith.constant 3 : i32
        %broadcast_in_dim3A_242 = vector.broadcast %broadcast_in_dim3A_241 : i32 to vector<16xi32>
        %eq3A_243 = arith.cmpi eq, %get3A_210, %broadcast_in_dim3A_242 : vector<16xi32>
        %convert_element_type3A_244 = arith.extui %eq3A_243 : vector<16xi1> to vector<16xi32>
        %broadcast_in_dim3A_245 = arith.constant true
        %broadcast_in_dim3A_246 = vector.broadcast %broadcast_in_dim3A_245 : i1 to vector<16xi1>
        %masked_cumsum3A_247 = tpu.scan <sum>, %convert_element_type3A_244 masked %broadcast_in_dim3A_246 : vector<16xi32>, vector<16xi1> -> vector<16xi32>
        %sub3A_248 = arith.subi %masked_cumsum3A_247, %broadcast_in_dim3A_5 : vector<16xi32>
        %select_n3A_249 = arith.select %eq3A_243, %sub3A_248, %broadcast_in_dim3A_3 : vector<16xi1>, vector<16xi32>
        %add3A_250 = arith.addi %add3A_240, %select_n3A_249 : vector<16xi32>
        %broadcast_in_dim3A_251 = arith.constant 4 : i32
        %broadcast_in_dim3A_252 = vector.broadcast %broadcast_in_dim3A_251 : i32 to vector<16xi32>
        %eq3A_253 = arith.cmpi eq, %get3A_210, %broadcast_in_dim3A_252 : vector<16xi32>
        %convert_element_type3A_254 = arith.extui %eq3A_253 : vector<16xi1> to vector<16xi32>
        %broadcast_in_dim3A_255 = arith.constant true
        %broadcast_in_dim3A_256 = vector.broadcast %broadcast_in_dim3A_255 : i1 to vector<16xi1>
        %masked_cumsum3A_257 = tpu.scan <sum>, %convert_element_type3A_254 masked %broadcast_in_dim3A_256 : vector<16xi32>, vector<16xi1> -> vector<16xi32>
        %sub3A_258 = arith.subi %masked_cumsum3A_257, %broadcast_in_dim3A_5 : vector<16xi32>
        %select_n3A_259 = arith.select %eq3A_253, %sub3A_258, %broadcast_in_dim3A_3 : vector<16xi1>, vector<16xi32>
        %add3A_260 = arith.addi %add3A_250, %select_n3A_259 : vector<16xi32>
        %broadcast_in_dim3A_261 = arith.constant 5 : i32
        %broadcast_in_dim3A_262 = vector.broadcast %broadcast_in_dim3A_261 : i32 to vector<16xi32>
        %eq3A_263 = arith.cmpi eq, %get3A_210, %broadcast_in_dim3A_262 : vector<16xi32>
        %convert_element_type3A_264 = arith.extui %eq3A_263 : vector<16xi1> to vector<16xi32>
        %broadcast_in_dim3A_265 = arith.constant true
        %broadcast_in_dim3A_266 = vector.broadcast %broadcast_in_dim3A_265 : i1 to vector<16xi1>
        %masked_cumsum3A_267 = tpu.scan <sum>, %convert_element_type3A_264 masked %broadcast_in_dim3A_266 : vector<16xi32>, vector<16xi1> -> vector<16xi32>
        %sub3A_268 = arith.subi %masked_cumsum3A_267, %broadcast_in_dim3A_5 : vector<16xi32>
        %select_n3A_269 = arith.select %eq3A_263, %sub3A_268, %broadcast_in_dim3A_3 : vector<16xi1>, vector<16xi32>
        %add3A_270 = arith.addi %add3A_260, %select_n3A_269 : vector<16xi32>
        %broadcast_in_dim3A_271 = arith.constant 6 : i32
        %broadcast_in_dim3A_272 = vector.broadcast %broadcast_in_dim3A_271 : i32 to vector<16xi32>
        %eq3A_273 = arith.cmpi eq, %get3A_210, %broadcast_in_dim3A_272 : vector<16xi32>
        %convert_element_type3A_274 = arith.extui %eq3A_273 : vector<16xi1> to vector<16xi32>
        %broadcast_in_dim3A_275 = arith.constant true
        %broadcast_in_dim3A_276 = vector.broadcast %broadcast_in_dim3A_275 : i1 to vector<16xi1>
        %masked_cumsum3A_277 = tpu.scan <sum>, %convert_element_type3A_274 masked %broadcast_in_dim3A_276 : vector<16xi32>, vector<16xi1> -> vector<16xi32>
        %sub3A_278 = arith.subi %masked_cumsum3A_277, %broadcast_in_dim3A_5 : vector<16xi32>
        %select_n3A_279 = arith.select %eq3A_273, %sub3A_278, %broadcast_in_dim3A_3 : vector<16xi1>, vector<16xi32>
        %add3A_280 = arith.addi %add3A_270, %select_n3A_279 : vector<16xi32>
        %broadcast_in_dim3A_281 = arith.constant 7 : i32
        %broadcast_in_dim3A_282 = vector.broadcast %broadcast_in_dim3A_281 : i32 to vector<16xi32>
        %eq3A_283 = arith.cmpi eq, %get3A_210, %broadcast_in_dim3A_282 : vector<16xi32>
        %convert_element_type3A_284 = arith.extui %eq3A_283 : vector<16xi1> to vector<16xi32>
        %broadcast_in_dim3A_285 = arith.constant true
        %broadcast_in_dim3A_286 = vector.broadcast %broadcast_in_dim3A_285 : i1 to vector<16xi1>
        %masked_cumsum3A_287 = tpu.scan <sum>, %convert_element_type3A_284 masked %broadcast_in_dim3A_286 : vector<16xi32>, vector<16xi1> -> vector<16xi32>
        %sub3A_288 = arith.subi %masked_cumsum3A_287, %broadcast_in_dim3A_5 : vector<16xi32>
        %select_n3A_289 = arith.select %eq3A_283, %sub3A_288, %broadcast_in_dim3A_3 : vector<16xi1>, vector<16xi32>
        %add3A_290 = arith.addi %add3A_280, %select_n3A_289 : vector<16xi32>
        %add3A_291 = arith.addi %gather3A_211, %add3A_290 : vector<16xi32>
        %add3A_292 = arith.addi %broadcast_in_dim3A_206, %iota3A : vector<16xi32>
        tpu.vector_store_idx %arg10[%add3A_291], %add3A_292 : memref<5120xi32, #tpu.memory_space<vmem>>[vector<16xi32>], vector<16xi32>,
        %mul3A_293 = arith.constant 16 : i32
        %mul3A_294 = arith.muli %scan3A_203, %mul3A_293 : i32
        %swap3A_295 = arith.index_cast %mul3A_294 : i32 to index
        %swap3A_296 = tpu.vector_load %arg11[%swap3A_295] {strides = array<i32>} : memref<2048xi32, #tpu.memory_space<vmem>>, vector<16xi32>,
        tpu.vector_store %arg11[%swap3A_295], %add3A_291 {strides = array<i32>} : memref<2048xi32, #tpu.memory_space<vmem>>, vector<16xi32>,
        tpu.vector_store_idx %arg15[%get3A_210], %broadcast_in_dim3A_5 {add = true} : memref<16xi32, #tpu.memory_space<vmem>>[vector<16xi32>], vector<16xi32>,
        %mul3A_297 = arith.constant 16 : i32
        %mul3A_298 = arith.muli %scan3A_203, %mul3A_297 : i32
        %get3A_299 = arith.index_cast %mul3A_298 : i32 to index
        %get3A_300 = tpu.vector_load %arg9[%get3A_299] {strides = array<i32>} : memref<2048xi32, #tpu.memory_space<vmem>>, vector<16xi32>,
        %gather3A_301 = tpu.vector_load_idx %arg15[%get3A_300] : memref<16xi32, #tpu.memory_space<vmem>>[vector<16xi32>], vector<16xi32>,
        %broadcast_in_dim3A_302 = arith.constant 0 : i32
        %broadcast_in_dim3A_303 = vector.broadcast %broadcast_in_dim3A_302 : i32 to vector<16xi32>
        %eq3A_304 = arith.cmpi eq, %get3A_300, %broadcast_in_dim3A_303 : vector<16xi32>
        %convert_element_type3A_305 = arith.extui %eq3A_304 : vector<16xi1> to vector<16xi32>
        %broadcast_in_dim3A_306 = arith.constant true
        %broadcast_in_dim3A_307 = vector.broadcast %broadcast_in_dim3A_306 : i1 to vector<16xi1>
        %masked_cumsum3A_308 = tpu.scan <sum>, %convert_element_type3A_305 masked %broadcast_in_dim3A_307 : vector<16xi32>, vector<16xi1> -> vector<16xi32>
        %sub3A_309 = arith.subi %masked_cumsum3A_308, %broadcast_in_dim3A_5 : vector<16xi32>
        %select_n3A_310 = arith.select %eq3A_304, %sub3A_309, %broadcast_in_dim3A_3 : vector<16xi1>, vector<16xi32>
        %add3A_311 = arith.addi %broadcast_in_dim3A_3, %select_n3A_310 : vector<16xi32>
        %broadcast_in_dim3A_312 = arith.constant 1 : i32
        %broadcast_in_dim3A_313 = vector.broadcast %broadcast_in_dim3A_312 : i32 to vector<16xi32>
        %eq3A_314 = arith.cmpi eq, %get3A_300, %broadcast_in_dim3A_313 : vector<16xi32>
        %convert_element_type3A_315 = arith.extui %eq3A_314 : vector<16xi1> to vector<16xi32>
        %broadcast_in_dim3A_316 = arith.constant true
        %broadcast_in_dim3A_317 = vector.broadcast %broadcast_in_dim3A_316 : i1 to vector<16xi1>
        %masked_cumsum3A_318 = tpu.scan <sum>, %convert_element_type3A_315 masked %broadcast_in_dim3A_317 : vector<16xi32>, vector<16xi1> -> vector<16xi32>
        %sub3A_319 = arith.subi %masked_cumsum3A_318, %broadcast_in_dim3A_5 : vector<16xi32>
        %select_n3A_320 = arith.select %eq3A_314, %sub3A_319, %broadcast_in_dim3A_3 : vector<16xi1>, vector<16xi32>
        %add3A_321 = arith.addi %add3A_311, %select_n3A_320 : vector<16xi32>
        %broadcast_in_dim3A_322 = arith.constant 2 : i32
        %broadcast_in_dim3A_323 = vector.broadcast %broadcast_in_dim3A_322 : i32 to vector<16xi32>
        %eq3A_324 = arith.cmpi eq, %get3A_300, %broadcast_in_dim3A_323 : vector<16xi32>
        %convert_element_type3A_325 = arith.extui %eq3A_324 : vector<16xi1> to vector<16xi32>
        %broadcast_in_dim3A_326 = arith.constant true
        %broadcast_in_dim3A_327 = vector.broadcast %broadcast_in_dim3A_326 : i1 to vector<16xi1>
        %masked_cumsum3A_328 = tpu.scan <sum>, %convert_element_type3A_325 masked %broadcast_in_dim3A_327 : vector<16xi32>, vector<16xi1> -> vector<16xi32>
        %sub3A_329 = arith.subi %masked_cumsum3A_328, %broadcast_in_dim3A_5 : vector<16xi32>
        %select_n3A_330 = arith.select %eq3A_324, %sub3A_329, %broadcast_in_dim3A_3 : vector<16xi1>, vector<16xi32>
        %add3A_331 = arith.addi %add3A_321, %select_n3A_330 : vector<16xi32>
        %broadcast_in_dim3A_332 = arith.constant 3 : i32
        %broadcast_in_dim3A_333 = vector.broadcast %broadcast_in_dim3A_332 : i32 to vector<16xi32>
        %eq3A_334 = arith.cmpi eq, %get3A_300, %broadcast_in_dim3A_333 : vector<16xi32>
        %convert_element_type3A_335 = arith.extui %eq3A_334 : vector<16xi1> to vector<16xi32>
        %broadcast_in_dim3A_336 = arith.constant true
        %broadcast_in_dim3A_337 = vector.broadcast %broadcast_in_dim3A_336 : i1 to vector<16xi1>
        %masked_cumsum3A_338 = tpu.scan <sum>, %convert_element_type3A_335 masked %broadcast_in_dim3A_337 : vector<16xi32>, vector<16xi1> -> vector<16xi32>
        %sub3A_339 = arith.subi %masked_cumsum3A_338, %broadcast_in_dim3A_5 : vector<16xi32>
        %select_n3A_340 = arith.select %eq3A_334, %sub3A_339, %broadcast_in_dim3A_3 : vector<16xi1>, vector<16xi32>
        %add3A_341 = arith.addi %add3A_331, %select_n3A_340 : vector<16xi32>
        %broadcast_in_dim3A_342 = arith.constant 4 : i32
        %broadcast_in_dim3A_343 = vector.broadcast %broadcast_in_dim3A_342 : i32 to vector<16xi32>
        %eq3A_344 = arith.cmpi eq, %get3A_300, %broadcast_in_dim3A_343 : vector<16xi32>
        %convert_element_type3A_345 = arith.extui %eq3A_344 : vector<16xi1> to vector<16xi32>
        %broadcast_in_dim3A_346 = arith.constant true
        %broadcast_in_dim3A_347 = vector.broadcast %broadcast_in_dim3A_346 : i1 to vector<16xi1>
        %masked_cumsum3A_348 = tpu.scan <sum>, %convert_element_type3A_345 masked %broadcast_in_dim3A_347 : vector<16xi32>, vector<16xi1> -> vector<16xi32>
        %sub3A_349 = arith.subi %masked_cumsum3A_348, %broadcast_in_dim3A_5 : vector<16xi32>
        %select_n3A_350 = arith.select %eq3A_344, %sub3A_349, %broadcast_in_dim3A_3 : vector<16xi1>, vector<16xi32>
        %add3A_351 = arith.addi %add3A_341, %select_n3A_350 : vector<16xi32>
        %broadcast_in_dim3A_352 = arith.constant 5 : i32
        %broadcast_in_dim3A_353 = vector.broadcast %broadcast_in_dim3A_352 : i32 to vector<16xi32>
        %eq3A_354 = arith.cmpi eq, %get3A_300, %broadcast_in_dim3A_353 : vector<16xi32>
        %convert_element_type3A_355 = arith.extui %eq3A_354 : vector<16xi1> to vector<16xi32>
        %broadcast_in_dim3A_356 = arith.constant true
        %broadcast_in_dim3A_357 = vector.broadcast %broadcast_in_dim3A_356 : i1 to vector<16xi1>
        %masked_cumsum3A_358 = tpu.scan <sum>, %convert_element_type3A_355 masked %broadcast_in_dim3A_357 : vector<16xi32>, vector<16xi1> -> vector<16xi32>
        %sub3A_359 = arith.subi %masked_cumsum3A_358, %broadcast_in_dim3A_5 : vector<16xi32>
        %select_n3A_360 = arith.select %eq3A_354, %sub3A_359, %broadcast_in_dim3A_3 : vector<16xi1>, vector<16xi32>
        %add3A_361 = arith.addi %add3A_351, %select_n3A_360 : vector<16xi32>
        %broadcast_in_dim3A_362 = arith.constant 6 : i32
        %broadcast_in_dim3A_363 = vector.broadcast %broadcast_in_dim3A_362 : i32 to vector<16xi32>
        %eq3A_364 = arith.cmpi eq, %get3A_300, %broadcast_in_dim3A_363 : vector<16xi32>
        %convert_element_type3A_365 = arith.extui %eq3A_364 : vector<16xi1> to vector<16xi32>
        %broadcast_in_dim3A_366 = arith.constant true
        %broadcast_in_dim3A_367 = vector.broadcast %broadcast_in_dim3A_366 : i1 to vector<16xi1>
        %masked_cumsum3A_368 = tpu.scan <sum>, %convert_element_type3A_365 masked %broadcast_in_dim3A_367 : vector<16xi32>, vector<16xi1> -> vector<16xi32>
        %sub3A_369 = arith.subi %masked_cumsum3A_368, %broadcast_in_dim3A_5 : vector<16xi32>
        %select_n3A_370 = arith.select %eq3A_364, %sub3A_369, %broadcast_in_dim3A_3 : vector<16xi1>, vector<16xi32>
        %add3A_371 = arith.addi %add3A_361, %select_n3A_370 : vector<16xi32>
        %broadcast_in_dim3A_372 = arith.constant 7 : i32
        %broadcast_in_dim3A_373 = vector.broadcast %broadcast_in_dim3A_372 : i32 to vector<16xi32>
        %eq3A_374 = arith.cmpi eq, %get3A_300, %broadcast_in_dim3A_373 : vector<16xi32>
        %convert_element_type3A_375 = arith.extui %eq3A_374 : vector<16xi1> to vector<16xi32>
        %broadcast_in_dim3A_376 = arith.constant true
        %broadcast_in_dim3A_377 = vector.broadcast %broadcast_in_dim3A_376 : i1 to vector<16xi1>
        %masked_cumsum3A_378 = tpu.scan <sum>, %convert_element_type3A_375 masked %broadcast_in_dim3A_377 : vector<16xi32>, vector<16xi1> -> vector<16xi32>
        %sub3A_379 = arith.subi %masked_cumsum3A_378, %broadcast_in_dim3A_5 : vector<16xi32>
        %select_n3A_380 = arith.select %eq3A_374, %sub3A_379, %broadcast_in_dim3A_3 : vector<16xi1>, vector<16xi32>
        %add3A_381 = arith.addi %add3A_371, %select_n3A_380 : vector<16xi32>
        %add3A_382 = arith.addi %gather3A_301, %add3A_381 : vector<16xi32>
        %add3A_383 = arith.addi %broadcast_in_dim3A_206, %iota3A : vector<16xi32>
        tpu.vector_store_idx %arg10[%add3A_382], %add3A_383 : memref<5120xi32, #tpu.memory_space<vmem>>[vector<16xi32>], vector<16xi32>,
        %mul3A_384 = arith.constant 16 : i32
        %mul3A_385 = arith.muli %scan3A_203, %mul3A_384 : i32
        %swap3A_386 = arith.index_cast %mul3A_385 : i32 to index
        %swap3A_387 = tpu.vector_load %arg12[%swap3A_386] {strides = array<i32>} : memref<2048xi32, #tpu.memory_space<vmem>>, vector<16xi32>,
        tpu.vector_store %arg12[%swap3A_386], %add3A_382 {strides = array<i32>} : memref<2048xi32, #tpu.memory_space<vmem>>, vector<16xi32>,
        tpu.vector_store_idx %arg15[%get3A_300], %broadcast_in_dim3A_5 {add = true} : memref<16xi32, #tpu.memory_space<vmem>>[vector<16xi32>], vector<16xi32>,
      }
      %scan3A_202 = arith.constant 128 : i32
      "tpu.region"() ({
        %run_scoped3A = tpu.sem_alloc : memref<!tpu.dma_semaphore, #tpu.memory_space<semaphore_mem>>
        tpu.enqueue_dma source(%arg10 : memref<5120xi32, #tpu.memory_space<vmem>>) target(%arg4 : memref<5120xi32, #tpu.memory_space<hbm>>) target_semaphore(%run_scoped3A : memref<!tpu.dma_semaphore, #tpu.memory_space<semaphore_mem>>)
        tpu.wait_dma2 semaphore(%run_scoped3A : memref<!tpu.dma_semaphore, #tpu.memory_space<semaphore_mem>>) src(%arg10 : memref<5120xi32, #tpu.memory_space<vmem>>) dst(%arg4 : memref<5120xi32, #tpu.memory_space<hbm>>)
        tpu.yield
      }) : () -> ()
      "tpu.region"() ({
        %run_scoped3A = tpu.sem_alloc : memref<!tpu.dma_semaphore, #tpu.memory_space<semaphore_mem>>
        tpu.enqueue_dma source(%arg11 : memref<2048xi32, #tpu.memory_space<vmem>>) target(%arg5 : memref<2048xi32, #tpu.memory_space<hbm>>) target_semaphore(%run_scoped3A : memref<!tpu.dma_semaphore, #tpu.memory_space<semaphore_mem>>)
        tpu.wait_dma2 semaphore(%run_scoped3A : memref<!tpu.dma_semaphore, #tpu.memory_space<semaphore_mem>>) src(%arg11 : memref<2048xi32, #tpu.memory_space<vmem>>) dst(%arg5 : memref<2048xi32, #tpu.memory_space<hbm>>)
        tpu.yield
      }) : () -> ()
      "tpu.region"() ({
        %run_scoped3A = tpu.sem_alloc : memref<!tpu.dma_semaphore, #tpu.memory_space<semaphore_mem>>
        tpu.enqueue_dma source(%arg12 : memref<2048xi32, #tpu.memory_space<vmem>>) target(%arg6 : memref<2048xi32, #tpu.memory_space<hbm>>) target_semaphore(%run_scoped3A : memref<!tpu.dma_semaphore, #tpu.memory_space<semaphore_mem>>)
        tpu.wait_dma2 semaphore(%run_scoped3A : memref<!tpu.dma_semaphore, #tpu.memory_space<semaphore_mem>>) src(%arg12 : memref<2048xi32, #tpu.memory_space<vmem>>) dst(%arg6 : memref<2048xi32, #tpu.memory_space<hbm>>)
        tpu.yield
      }) : () -> ()
      "tpu.region"() ({
        %run_scoped3A = tpu.sem_alloc : memref<!tpu.dma_semaphore, #tpu.memory_space<semaphore_mem>>
        tpu.enqueue_dma source(%arg16 : memref<48xi32, #tpu.memory_space<vmem>>) target(%arg7 : memref<48xi32, #tpu.memory_space<hbm>>) target_semaphore(%run_scoped3A : memref<!tpu.dma_semaphore, #tpu.memory_space<semaphore_mem>>)
        tpu.wait_dma2 semaphore(%run_scoped3A : memref<!tpu.dma_semaphore, #tpu.memory_space<semaphore_mem>>) src(%arg16 : memref<48xi32, #tpu.memory_space<vmem>>) dst(%arg7 : memref<48xi32, #tpu.memory_space<hbm>>)
        tpu.yield
      }) : () -> ()
    } else {
    }
    return
  }
}

#map = affine_map<(d0, d1) -> (0)>
#map1 = affine_map<(d0, d1) -> (0, 0)>
module attributes {stable_mosaic.version = 14 : i64} {
  func.func @_sc_gather_body(%arg0: i32, %arg1: i32, %arg2: memref<5120xi32, #tpu.memory_space<hbm>>, %arg3: memref<2048x768xf32, #tpu.memory_space<hbm>>, %arg4: memref<5120x768xf32, #tpu.memory_space<hbm>>, %arg5: memref<32xi32, #tpu.memory_space<vmem>>, %arg6: memref<32x768xf32, #tpu.memory_space<vmem>>, %arg7: memref<!tpu.dma_semaphore, #tpu.memory_space<semaphore_mem>>) attributes {dimension_semantics = [#tpu.dimension_semantics<core_parallel>, #tpu.dimension_semantics<subcore_parallel>], iteration_bounds = array<i64: 2, 16>, scalar_prefetch = 0 : i64, scratch_operands = 3 : i64, tpu.core_type = #tpu.core_type<sc_vector_subcore>, window_params = [{transform_indices = #map}, {transform_indices = #map1}, {transform_indices = #map1}]} {
    %mul3A = arith.constant 2 : i32
    %mul3A_0 = arith.muli %arg1, %mul3A : i32
    %add3A = arith.addi %mul3A_0, %arg0 : i32
    %scan3A = arith.constant 0 : i32
    %scan3A_1 = arith.constant 0 : i32
    %scan3A_2 = arith.constant 5 : i32
    %scan3A_3 = arith.addi %scan3A_1, %scan3A_2 : i32
    %scan3A_4 = arith.constant 1 : i32
    scf.for %scan3A_6 = %scan3A_1 to %scan3A_3 step %scan3A_4  : i32 {
      %mul3A_7 = arith.constant 160 : i32
      %mul3A_8 = arith.muli %add3A, %mul3A_7 : i32
      %mul3A_9 = arith.constant 32 : i32
      %mul3A_10 = arith.muli %scan3A_6, %mul3A_9 : i32
      %add3A_11 = arith.addi %mul3A_8, %mul3A_10 : i32
      %multiple_of3A = tpu.assume_multiple %add3A_11, 32 : i32
      "tpu.region"() ({
        %run_scoped3A = tpu.sem_alloc : memref<!tpu.dma_semaphore, #tpu.memory_space<semaphore_mem>>
        %dma_start3A_16 = tpu.memref_slice %arg2[%multiple_of3A] : memref<5120xi32, #tpu.memory_space<hbm>> -> memref<32xi32, #tpu.memory_space<hbm>>
        %dma_start3A_17 = tpu.memref_slice %arg2[%multiple_of3A] : memref<5120xi32, #tpu.memory_space<hbm>> -> memref<32xi32, #tpu.memory_space<hbm>>
        tpu.enqueue_dma source(%dma_start3A_17 : memref<32xi32, #tpu.memory_space<hbm>>) target(%arg5 : memref<32xi32, #tpu.memory_space<vmem>>) target_semaphore(%run_scoped3A : memref<!tpu.dma_semaphore, #tpu.memory_space<semaphore_mem>>)
        %dma_wait3A_18 = tpu.memref_slice %arg2[%multiple_of3A] : memref<5120xi32, #tpu.memory_space<hbm>> -> memref<32xi32, #tpu.memory_space<hbm>>
        %dma_wait3A_19 = tpu.memref_slice %arg2[%multiple_of3A] : memref<5120xi32, #tpu.memory_space<hbm>> -> memref<32xi32, #tpu.memory_space<hbm>>
        tpu.wait_dma2 semaphore(%run_scoped3A : memref<!tpu.dma_semaphore, #tpu.memory_space<semaphore_mem>>) src(%dma_wait3A_19 : memref<32xi32, #tpu.memory_space<hbm>>) dst(%arg5 : memref<32xi32, #tpu.memory_space<vmem>>)
        tpu.yield
      }) : () -> ()
      %dma_start3A = arith.constant 0 : i32
      %dma_start3A_12 = arith.constant 0 : i32
      %dma_start3A_13 = tpu.memref_slice %arg3[%dma_start3A, %dma_start3A_12] : memref<2048x768xf32, #tpu.memory_space<hbm>> -> memref<2048x768xf32, #tpu.memory_space<hbm>>
      tpu.enqueue_indirect_dma source(%dma_start3A_13 : memref<2048x768xf32, #tpu.memory_space<hbm>>) target(%arg6 : memref<32x768xf32, #tpu.memory_space<vmem>>) offsets(%arg5 : memref<32xi32, #tpu.memory_space<vmem>>) semaphore(%arg7 : memref<!tpu.dma_semaphore, #tpu.memory_space<semaphore_mem>>)
      %dma_wait3A = arith.constant 0 : i32
      %dma_wait3A_14 = arith.constant 0 : i32
      %dma_wait3A_15 = tpu.memref_slice %arg3[%dma_wait3A, %dma_wait3A_14] : memref<2048x768xf32, #tpu.memory_space<hbm>> -> memref<2048x768xf32, #tpu.memory_space<hbm>>
      tpu.wait_indirect_dma semaphore(%arg7 : memref<!tpu.dma_semaphore, #tpu.memory_space<semaphore_mem>>) src(%dma_wait3A_15 : memref<2048x768xf32, #tpu.memory_space<hbm>>) dst(%arg6 : memref<32x768xf32, #tpu.memory_space<vmem>>)
      "tpu.region"() ({
        %run_scoped3A = tpu.sem_alloc : memref<!tpu.dma_semaphore, #tpu.memory_space<semaphore_mem>>
        %dma_start3A_16 = arith.constant 0 : i32
        %dma_start3A_17 = tpu.memref_slice %arg4[%multiple_of3A, %dma_start3A_16] : memref<5120x768xf32, #tpu.memory_space<hbm>> -> memref<32x768xf32, #tpu.memory_space<hbm>>
        %dma_start3A_18 = arith.constant 0 : i32
        %dma_start3A_19 = tpu.memref_slice %arg4[%multiple_of3A, %dma_start3A_18] : memref<5120x768xf32, #tpu.memory_space<hbm>> -> memref<32x768xf32, #tpu.memory_space<hbm>>
        tpu.enqueue_dma source(%arg6 : memref<32x768xf32, #tpu.memory_space<vmem>>) target(%dma_start3A_19 : memref<32x768xf32, #tpu.memory_space<hbm>>) target_semaphore(%run_scoped3A : memref<!tpu.dma_semaphore, #tpu.memory_space<semaphore_mem>>)
        %dma_wait3A_20 = arith.constant 0 : i32
        %dma_wait3A_21 = tpu.memref_slice %arg4[%multiple_of3A, %dma_wait3A_20] : memref<5120x768xf32, #tpu.memory_space<hbm>> -> memref<32x768xf32, #tpu.memory_space<hbm>>
        %dma_wait3A_22 = arith.constant 0 : i32
        %dma_wait3A_23 = tpu.memref_slice %arg4[%multiple_of3A, %dma_wait3A_22] : memref<5120x768xf32, #tpu.memory_space<hbm>> -> memref<32x768xf32, #tpu.memory_space<hbm>>
        tpu.wait_dma2 semaphore(%run_scoped3A : memref<!tpu.dma_semaphore, #tpu.memory_space<semaphore_mem>>) src(%arg6 : memref<32x768xf32, #tpu.memory_space<vmem>>) dst(%dma_wait3A_23 : memref<32x768xf32, #tpu.memory_space<hbm>>)
        tpu.yield
      }) : () -> ()
    }
    %scan3A_5 = arith.constant 5 : i32
    return
  }
}

module attributes {stable_mosaic.version = 14 : i64} {
  func.func @_k1_body(%arg0: i32, %arg1: memref<256x768xf32, #tpu.memory_space<vmem>>, %arg2: memref<1x768xf32, #tpu.memory_space<vmem>>, %arg3: memref<768x768xf32, #tpu.memory_space<vmem>>, %arg4: memref<1x768xf32, #tpu.memory_space<vmem>>, %arg5: memref<768x256xf32, #tpu.memory_space<vmem>>, %arg6: memref<1x256xf32, #tpu.memory_space<vmem>>, %arg7: memref<768x256xf32, #tpu.memory_space<vmem>>, %arg8: memref<1x256xf32, #tpu.memory_space<vmem>>, %arg9: memref<256x768xf32, #tpu.memory_space<vmem>>, %arg10: memref<256x256xf32, #tpu.memory_space<vmem>>, %arg11: memref<256x256xf32, #tpu.memory_space<vmem>>) attributes {dimension_semantics = [#tpu.dimension_semantics<arbitrary>], iteration_bounds = array<i64: 8>, scalar_prefetch = 0 : i64, scratch_operands = 0 : i64, tpu.core_type = #tpu.core_type<tc>, window_params = [{transform_indices = @transform_0, window_bounds = array<i64: 256, 768>}, {pipeline_mode = #tpu.pipeline_mode<synchronous>, transform_indices = @transform_1, window_bounds = array<i64: 1, 768>}, {pipeline_mode = #tpu.pipeline_mode<synchronous>, transform_indices = @transform_2, window_bounds = array<i64: 768, 768>}, {pipeline_mode = #tpu.pipeline_mode<synchronous>, transform_indices = @transform_3, window_bounds = array<i64: 1, 768>}, {pipeline_mode = #tpu.pipeline_mode<synchronous>, transform_indices = @transform_4, window_bounds = array<i64: 768, 256>}, {pipeline_mode = #tpu.pipeline_mode<synchronous>, transform_indices = @transform_5, window_bounds = array<i64: 1, 256>}, {pipeline_mode = #tpu.pipeline_mode<synchronous>, transform_indices = @transform_6, window_bounds = array<i64: 768, 256>}, {pipeline_mode = #tpu.pipeline_mode<synchronous>, transform_indices = @transform_7, window_bounds = array<i64: 1, 256>}, {transform_indices = @transform_8, window_bounds = array<i64: 256, 768>}, {transform_indices = @transform_9, window_bounds = array<i64: 256, 256>}, {transform_indices = @transform_10, window_bounds = array<i64: 256, 256>}]} {
    %get3A = arith.constant 0 : index
    %get3A_0 = arith.constant 0 : index
    %get3A_1 = vector.load %arg1[%get3A, %get3A_0] : memref<256x768xf32, #tpu.memory_space<vmem>>, vector<256x768xf32>
    %get3A_2 = arith.constant 0 : index
    %get3A_3 = arith.constant 0 : index
    %get3A_4 = vector.load %arg2[%get3A_2, %get3A_3] : memref<1x768xf32, #tpu.memory_space<vmem>>, vector<1x768xf32>
    %square3A = arith.mulf %get3A_1, %get3A_1 : vector<256x768xf32>
    %reduce_sum3A = arith.constant dense<0.000000e+00> : vector<256xf32>
    %reduce_sum3A_5 = vector.multi_reduction <add>, %square3A, %reduce_sum3A [1] : vector<256x768xf32> to vector<256xf32>
    %broadcast_in_dim3A = vector.shape_cast %reduce_sum3A_5 : vector<256xf32> to vector<256x1xf32>
    %div3A = arith.constant 7.680000e+02 : f32
    %div3A_6 = vector.broadcast %div3A : f32 to vector<256x1xf32>
    %div3A_7 = arith.divf %broadcast_in_dim3A, %div3A_6 : vector<256x1xf32>
    %add3A = arith.constant 9.99999974E-6 : f32
    %add3A_8 = vector.broadcast %add3A : f32 to vector<256x1xf32>
    %add3A_9 = arith.addf %div3A_7, %add3A_8 : vector<256x1xf32>
    %rsqrt3A = math.rsqrt %add3A_9 : vector<256x1xf32>
    %mul3A = vector.broadcast %rsqrt3A : vector<256x1xf32> to vector<256x768xf32>
    %mul3A_10 = arith.mulf %get3A_1, %mul3A : vector<256x768xf32>
    %mul3A_11 = vector.broadcast %get3A_4 : vector<1x768xf32> to vector<256x768xf32>
    %mul3A_12 = arith.mulf %mul3A_10, %mul3A_11 : vector<256x768xf32>
    %get3A_13 = arith.constant 0 : index
    %get3A_14 = arith.constant 0 : index
    %get3A_15 = vector.load %arg3[%get3A_13, %get3A_14] : memref<768x768xf32, #tpu.memory_space<vmem>>, vector<768x768xf32>
    %dot_general3A = arith.constant dense<0.000000e+00> : vector<256x768xf32>
    %dot_general3A_16 = tpu.matmul %mul3A_12, %get3A_15, %dot_general3A {dimension_numbers = #tpu.dot_dimension_numbers<[1], [0], [0], [1], [0, 0, 1, 1], [], []>, transpose_lhs_hint = false} : vector<256x768xf32>, vector<768x768xf32>, vector<256x768xf32> -> vector<256x768xf32>
    %get3A_17 = arith.constant 0 : index
    %get3A_18 = arith.constant 0 : index
    %get3A_19 = vector.load %arg4[%get3A_17, %get3A_18] : memref<1x768xf32, #tpu.memory_space<vmem>>, vector<1x768xf32>
    %add3A_20 = vector.broadcast %get3A_19 : vector<1x768xf32> to vector<256x768xf32>
    %add3A_21 = arith.addf %dot_general3A_16, %add3A_20 : vector<256x768xf32>
    %swap3A = arith.constant 0 : index
    %swap3A_22 = arith.constant 0 : index
    %swap3A_23 = vector.load %arg9[%swap3A, %swap3A_22] : memref<256x768xf32, #tpu.memory_space<vmem>>, vector<256x768xf32>
    tpu.vector_store %arg9[%swap3A, %swap3A_22], %add3A_21 {strides = array<i32>} : memref<256x768xf32, #tpu.memory_space<vmem>>, vector<256x768xf32>,
    %get3A_24 = arith.constant 0 : index
    %get3A_25 = arith.constant 0 : index
    %get3A_26 = vector.load %arg5[%get3A_24, %get3A_25] : memref<768x256xf32, #tpu.memory_space<vmem>>, vector<768x256xf32>
    %dot_general3A_27 = arith.constant dense<0.000000e+00> : vector<256x256xf32>
    %dot_general3A_28 = tpu.matmul %mul3A_12, %get3A_26, %dot_general3A_27 {dimension_numbers = #tpu.dot_dimension_numbers<[1], [0], [0], [1], [0, 0, 1, 1], [], []>, transpose_lhs_hint = false} : vector<256x768xf32>, vector<768x256xf32>, vector<256x256xf32> -> vector<256x256xf32>
    %get3A_29 = arith.constant 0 : index
    %get3A_30 = arith.constant 0 : index
    %get3A_31 = vector.load %arg6[%get3A_29, %get3A_30] : memref<1x256xf32, #tpu.memory_space<vmem>>, vector<1x256xf32>
    %add3A_32 = vector.broadcast %get3A_31 : vector<1x256xf32> to vector<256x256xf32>
    %add3A_33 = arith.addf %dot_general3A_28, %add3A_32 : vector<256x256xf32>
    %swap3A_34 = arith.constant 0 : index
    %swap3A_35 = arith.constant 0 : index
    %swap3A_36 = vector.load %arg10[%swap3A_34, %swap3A_35] : memref<256x256xf32, #tpu.memory_space<vmem>>, vector<256x256xf32>
    tpu.vector_store %arg10[%swap3A_34, %swap3A_35], %add3A_33 {strides = array<i32>} : memref<256x256xf32, #tpu.memory_space<vmem>>, vector<256x256xf32>,
    %get3A_37 = arith.constant 0 : index
    %get3A_38 = arith.constant 0 : index
    %get3A_39 = vector.load %arg7[%get3A_37, %get3A_38] : memref<768x256xf32, #tpu.memory_space<vmem>>, vector<768x256xf32>
    %dot_general3A_40 = arith.constant dense<0.000000e+00> : vector<256x256xf32>
    %dot_general3A_41 = tpu.matmul %mul3A_12, %get3A_39, %dot_general3A_40 {dimension_numbers = #tpu.dot_dimension_numbers<[1], [0], [0], [1], [0, 0, 1, 1], [], []>, transpose_lhs_hint = false} : vector<256x768xf32>, vector<768x256xf32>, vector<256x256xf32> -> vector<256x256xf32>
    %get3A_42 = arith.constant 0 : index
    %get3A_43 = arith.constant 0 : index
    %get3A_44 = vector.load %arg8[%get3A_42, %get3A_43] : memref<1x256xf32, #tpu.memory_space<vmem>>, vector<1x256xf32>
    %add3A_45 = vector.broadcast %get3A_44 : vector<1x256xf32> to vector<256x256xf32>
    %add3A_46 = arith.addf %dot_general3A_41, %add3A_45 : vector<256x256xf32>
    %swap3A_47 = arith.constant 0 : index
    %swap3A_48 = arith.constant 0 : index
    %swap3A_49 = vector.load %arg11[%swap3A_47, %swap3A_48] : memref<256x256xf32, #tpu.memory_space<vmem>>, vector<256x256xf32>
    tpu.vector_store %arg11[%swap3A_47, %swap3A_48], %add3A_46 {strides = array<i32>} : memref<256x256xf32, #tpu.memory_space<vmem>>, vector<256x256xf32>,
    return
  }
  func.func @transform_0(%arg0: i32) -> (i32, i32) {
    %c0_i32 = arith.constant 0 : i32
    %c0_i32_0 = arith.constant 0 : i32
    return %arg0, %c0_i32 : i32, i32
  }
  func.func @transform_1(%arg0: i32) -> (i32, i32) {
    %c0_i32 = arith.constant 0 : i32
    %c0_i32_0 = arith.constant 0 : i32
    %c0_i32_1 = arith.constant 0 : i32
    return %c0_i32, %c0_i32_0 : i32, i32
  }
  func.func @transform_2(%arg0: i32) -> (i32, i32) {
    %c0_i32 = arith.constant 0 : i32
    %c0_i32_0 = arith.constant 0 : i32
    %c0_i32_1 = arith.constant 0 : i32
    return %c0_i32, %c0_i32_0 : i32, i32
  }
  func.func @transform_3(%arg0: i32) -> (i32, i32) {
    %c0_i32 = arith.constant 0 : i32
    %c0_i32_0 = arith.constant 0 : i32
    %c0_i32_1 = arith.constant 0 : i32
    return %c0_i32, %c0_i32_0 : i32, i32
  }
  func.func @transform_4(%arg0: i32) -> (i32, i32) {
    %c0_i32 = arith.constant 0 : i32
    %c0_i32_0 = arith.constant 0 : i32
    %c0_i32_1 = arith.constant 0 : i32
    return %c0_i32, %c0_i32_0 : i32, i32
  }
  func.func @transform_5(%arg0: i32) -> (i32, i32) {
    %c0_i32 = arith.constant 0 : i32
    %c0_i32_0 = arith.constant 0 : i32
    %c0_i32_1 = arith.constant 0 : i32
    return %c0_i32, %c0_i32_0 : i32, i32
  }
  func.func @transform_6(%arg0: i32) -> (i32, i32) {
    %c0_i32 = arith.constant 0 : i32
    %c0_i32_0 = arith.constant 0 : i32
    %c0_i32_1 = arith.constant 0 : i32
    return %c0_i32, %c0_i32_0 : i32, i32
  }
  func.func @transform_7(%arg0: i32) -> (i32, i32) {
    %c0_i32 = arith.constant 0 : i32
    %c0_i32_0 = arith.constant 0 : i32
    %c0_i32_1 = arith.constant 0 : i32
    return %c0_i32, %c0_i32_0 : i32, i32
  }
  func.func @transform_8(%arg0: i32) -> (i32, i32) {
    %c0_i32 = arith.constant 0 : i32
    %c0_i32_0 = arith.constant 0 : i32
    return %arg0, %c0_i32 : i32, i32
  }
  func.func @transform_9(%arg0: i32) -> (i32, i32) {
    %c0_i32 = arith.constant 0 : i32
    %c0_i32_0 = arith.constant 0 : i32
    return %arg0, %c0_i32 : i32, i32
  }
  func.func @transform_10(%arg0: i32) -> (i32, i32) {
    %c0_i32 = arith.constant 0 : i32
    %c0_i32_0 = arith.constant 0 : i32
    return %arg0, %c0_i32 : i32, i32
  }
}

module attributes {stable_mosaic.version = 14 : i64} {
  func.func @_k2_body(%arg0: i32, %arg1: i32, %arg2: memref<1x256x64xf32, #tpu.memory_space<vmem>>, %arg3: memref<1x2048x64xf32, #tpu.memory_space<vmem>>, %arg4: memref<1x2048x64xf32, #tpu.memory_space<vmem>>, %arg5: memref<256x32xf32, #tpu.memory_space<vmem>>, %arg6: memref<256x32xf32, #tpu.memory_space<vmem>>, %arg7: memref<2048x32xf32, #tpu.memory_space<vmem>>, %arg8: memref<2048x32xf32, #tpu.memory_space<vmem>>, %arg9: memref<12xf32, #tpu.memory_space<smem>>, %arg10: memref<1x256x64xf32, #tpu.memory_space<vmem>>) attributes {dimension_semantics = [#tpu.dimension_semantics<arbitrary>, #tpu.dimension_semantics<arbitrary>], iteration_bounds = array<i64: 12, 8>, scalar_prefetch = 0 : i64, scratch_operands = 0 : i64, tpu.core_type = #tpu.core_type<tc>, window_params = [{transform_indices = @transform_0, window_bounds = array<i64: 1, 256, 64>}, {transform_indices = @transform_1, window_bounds = array<i64: 1, 2048, 64>}, {transform_indices = @transform_2, window_bounds = array<i64: 1, 2048, 64>}, {transform_indices = @transform_3, window_bounds = array<i64: 256, 32>}, {transform_indices = @transform_4, window_bounds = array<i64: 256, 32>}, {pipeline_mode = #tpu.pipeline_mode<synchronous>, transform_indices = @transform_5, window_bounds = array<i64: 2048, 32>}, {pipeline_mode = #tpu.pipeline_mode<synchronous>, transform_indices = @transform_6, window_bounds = array<i64: 2048, 32>}, {transform_indices = @transform_7, window_bounds = array<i64: 12>}, {transform_indices = @transform_8, window_bounds = array<i64: 1, 256, 64>}]} {
    %get3A = arith.constant 0 : index
    %get3A_0 = arith.constant 0 : index
    %get3A_1 = arith.constant 0 : index
    %get3A_2 = vector.load %arg2[%get3A, %get3A_0, %get3A_1] : memref<1x256x64xf32, #tpu.memory_space<vmem>>, vector<1x256x64xf32>
    %get3A_3 = vector.shape_cast %get3A_2 : vector<1x256x64xf32> to vector<256x64xf32>
    %get3A_4 = arith.constant 0 : index
    %get3A_5 = arith.constant 0 : index
    %get3A_6 = vector.load %arg5[%get3A_4, %get3A_5] : memref<256x32xf32, #tpu.memory_space<vmem>>, vector<256x32xf32>
    %get3A_7 = arith.constant 0 : index
    %get3A_8 = arith.constant 0 : index
    %get3A_9 = vector.load %arg6[%get3A_7, %get3A_8] : memref<256x32xf32, #tpu.memory_space<vmem>>, vector<256x32xf32>
    %slice3A = vector.extract_strided_slice %get3A_3 {offsets = [0, 0], sizes = [256, 32], strides = [1, 1]} : vector<256x64xf32> to vector<256x32xf32>
    %slice3A_10 = vector.extract_strided_slice %get3A_3 {offsets = [0, 32], sizes = [256, 32], strides = [1, 1]} : vector<256x64xf32> to vector<256x32xf32>
    %mul3A = arith.mulf %slice3A, %get3A_6 : vector<256x32xf32>
    %mul3A_11 = arith.mulf %slice3A_10, %get3A_9 : vector<256x32xf32>
    %sub3A = arith.subf %mul3A, %mul3A_11 : vector<256x32xf32>
    %mul3A_12 = arith.mulf %slice3A_10, %get3A_6 : vector<256x32xf32>
    %mul3A_13 = arith.mulf %slice3A, %get3A_9 : vector<256x32xf32>
    %add3A = arith.addf %mul3A_12, %mul3A_13 : vector<256x32xf32>
    %concatenate3A = tpu.concatenate %sub3A, %add3A in 1 : vector<256x32xf32>, vector<256x32xf32> -> vector<256x64xf32>
    %mul3A_14 = arith.constant 1.250000e-01 : f32
    %mul3A_15 = vector.broadcast %mul3A_14 : f32 to vector<256x64xf32>
    %mul3A_16 = arith.mulf %concatenate3A, %mul3A_15 : vector<256x64xf32>
    %get3A_17 = arith.constant 0 : index
    %get3A_18 = arith.constant 0 : index
    %get3A_19 = arith.constant 0 : index
    %get3A_20 = vector.load %arg3[%get3A_17, %get3A_18, %get3A_19] : memref<1x2048x64xf32, #tpu.memory_space<vmem>>, vector<1x2048x64xf32>
    %get3A_21 = vector.shape_cast %get3A_20 : vector<1x2048x64xf32> to vector<2048x64xf32>
    %get3A_22 = arith.constant 0 : index
    %get3A_23 = arith.constant 0 : index
    %get3A_24 = vector.load %arg7[%get3A_22, %get3A_23] : memref<2048x32xf32, #tpu.memory_space<vmem>>, vector<2048x32xf32>
    %get3A_25 = arith.constant 0 : index
    %get3A_26 = arith.constant 0 : index
    %get3A_27 = vector.load %arg8[%get3A_25, %get3A_26] : memref<2048x32xf32, #tpu.memory_space<vmem>>, vector<2048x32xf32>
    %slice3A_28 = vector.extract_strided_slice %get3A_21 {offsets = [0, 0], sizes = [2048, 32], strides = [1, 1]} : vector<2048x64xf32> to vector<2048x32xf32>
    %slice3A_29 = vector.extract_strided_slice %get3A_21 {offsets = [0, 32], sizes = [2048, 32], strides = [1, 1]} : vector<2048x64xf32> to vector<2048x32xf32>
    %mul3A_30 = arith.mulf %slice3A_28, %get3A_24 : vector<2048x32xf32>
    %mul3A_31 = arith.mulf %slice3A_29, %get3A_27 : vector<2048x32xf32>
    %sub3A_32 = arith.subf %mul3A_30, %mul3A_31 : vector<2048x32xf32>
    %mul3A_33 = arith.mulf %slice3A_29, %get3A_24 : vector<2048x32xf32>
    %mul3A_34 = arith.mulf %slice3A_28, %get3A_27 : vector<2048x32xf32>
    %add3A_35 = arith.addf %mul3A_33, %mul3A_34 : vector<2048x32xf32>
    %concatenate3A_36 = tpu.concatenate %sub3A_32, %add3A_35 in 1 : vector<2048x32xf32>, vector<2048x32xf32> -> vector<2048x64xf32>
    %dot_general3A = arith.constant dense<0.000000e+00> : vector<256x2048xf32>
    %dot_general3A_37 = tpu.matmul %mul3A_16, %concatenate3A_36, %dot_general3A {dimension_numbers = #tpu.dot_dimension_numbers<[1], [1], [0], [0], [0, 0, 1, 0], [], []>, transpose_lhs_hint = false} : vector<256x64xf32>, vector<2048x64xf32>, vector<256x2048xf32> -> vector<256x2048xf32>
    %mul3A_38 = arith.constant 256 : i32
    %mul3A_39 = arith.muli %arg1, %mul3A_38 : i32
    %iota3A = tpu.iota {dimensions = array<i32: 0>} : vector<256x2048xi32>
    %add3A_40 = vector.broadcast %mul3A_39 : i32 to vector<256x2048xi32>
    %add3A_41 = arith.addi %add3A_40, %iota3A : vector<256x2048xi32>
    %iota3A_42 = tpu.iota {dimensions = array<i32: 1>} : vector<256x2048xi32>
    %le3A = arith.cmpi sle, %iota3A_42, %add3A_41 : vector<256x2048xi32>
    %jit3A = arith.constant -1.000000e+09 : f32
    %broadcast_in_dim3A = vector.broadcast %jit3A : f32 to vector<256x2048xf32>
    %select_n3A = arith.select %le3A, %dot_general3A_37, %broadcast_in_dim3A : vector<256x2048xi1>, vector<256x2048xf32>
    %get3A_43 = arith.index_cast %arg0 : i32 to index
    %get3A_44 = memref.load %arg9[%get3A_43] : memref<12xf32, #tpu.memory_space<smem>>
    %reduce_max3A = arith.constant dense<0xFF800000> : vector<256xf32>
    %reduce_max3A_45 = vector.multi_reduction <maximumf>, %select_n3A, %reduce_max3A [1] : vector<256x2048xf32> to vector<256xf32>
    %broadcast_in_dim3A_46 = vector.shape_cast %reduce_max3A_45 : vector<256xf32> to vector<256x1xf32>
    %max3A = vector.broadcast %get3A_44 : f32 to vector<256x1xf32>
    %max3A_47 = arith.maximumf %broadcast_in_dim3A_46, %max3A : vector<256x1xf32>
    %sub3A_48 = vector.broadcast %max3A_47 : vector<256x1xf32> to vector<256x2048xf32>
    %sub3A_49 = arith.subf %select_n3A, %sub3A_48 : vector<256x2048xf32>
    %exp3A = math.exp %sub3A_49 : vector<256x2048xf32>
    %reduce_sum3A = arith.constant dense<0.000000e+00> : vector<256xf32>
    %reduce_sum3A_50 = vector.multi_reduction <add>, %exp3A, %reduce_sum3A [1] : vector<256x2048xf32> to vector<256xf32>
    %broadcast_in_dim3A_51 = vector.shape_cast %reduce_sum3A_50 : vector<256xf32> to vector<256x1xf32>
    %sub3A_52 = vector.broadcast %get3A_44 : f32 to vector<256x1xf32>
    %sub3A_53 = arith.subf %sub3A_52, %max3A_47 : vector<256x1xf32>
    %exp3A_54 = math.exp %sub3A_53 : vector<256x1xf32>
    %add3A_55 = arith.addf %broadcast_in_dim3A_51, %exp3A_54 : vector<256x1xf32>
    %get3A_56 = arith.constant 0 : index
    %get3A_57 = arith.constant 0 : index
    %get3A_58 = arith.constant 0 : index
    %get3A_59 = vector.load %arg4[%get3A_56, %get3A_57, %get3A_58] : memref<1x2048x64xf32, #tpu.memory_space<vmem>>, vector<1x2048x64xf32>
    %get3A_60 = vector.shape_cast %get3A_59 : vector<1x2048x64xf32> to vector<2048x64xf32>
    %dot_general3A_61 = arith.constant dense<0.000000e+00> : vector<256x64xf32>
    %dot_general3A_62 = tpu.matmul %exp3A, %get3A_60, %dot_general3A_61 {dimension_numbers = #tpu.dot_dimension_numbers<[1], [0], [0], [1], [0, 0, 1, 1], [], []>, transpose_lhs_hint = false} : vector<256x2048xf32>, vector<2048x64xf32>, vector<256x64xf32> -> vector<256x64xf32>
    %div3A = vector.broadcast %add3A_55 : vector<256x1xf32> to vector<256x64xf32>
    %div3A_63 = arith.divf %dot_general3A_62, %div3A : vector<256x64xf32>
    %swap3A = arith.constant 0 : index
    %swap3A_64 = arith.constant 0 : index
    %swap3A_65 = arith.constant 0 : index
    %swap3A_66 = vector.load %arg10[%swap3A, %swap3A_64, %swap3A_65] : memref<1x256x64xf32, #tpu.memory_space<vmem>>, vector<1x256x64xf32>
    %swap3A_67 = vector.shape_cast %swap3A_66 : vector<1x256x64xf32> to vector<256x64xf32>
    %swap3A_68 = vector.shape_cast %div3A_63 : vector<256x64xf32> to vector<1x256x64xf32>
    tpu.vector_store %arg10[%swap3A, %swap3A_64, %swap3A_65], %swap3A_68 {strides = array<i32>} : memref<1x256x64xf32, #tpu.memory_space<vmem>>, vector<1x256x64xf32>,
    return
  }
  func.func @transform_0(%arg0: i32, %arg1: i32) -> (i32, i32, i32) {
    %c0_i32 = arith.constant 0 : i32
    %c0_i32_0 = arith.constant 0 : i32
    return %arg0, %arg1, %c0_i32 : i32, i32, i32
  }
  func.func @transform_1(%arg0: i32, %arg1: i32) -> (i32, i32, i32) {
    %jit3A = arith.constant 3 : i32
    %div3A = arith.divsi %arg0, %jit3A : i32
    %sign3A = arith.constant 0 : i32
    %sign3A_0 = arith.cmpi sgt, %arg0, %sign3A : i32
    %sign3A_1 = arith.extui %sign3A_0 : i1 to i32
    %sign3A_2 = arith.constant 0 : i32
    %sign3A_3 = arith.cmpi slt, %arg0, %sign3A_2 : i32
    %sign3A_4 = arith.extui %sign3A_3 : i1 to i32
    %sign3A_5 = arith.subi %sign3A_1, %sign3A_4 : i32
    %sign3A_6 = arith.constant 0 : i32
    %sign3A_7 = arith.cmpi sgt, %jit3A, %sign3A_6 : i32
    %sign3A_8 = arith.extui %sign3A_7 : i1 to i32
    %sign3A_9 = arith.constant 0 : i32
    %sign3A_10 = arith.cmpi slt, %jit3A, %sign3A_9 : i32
    %sign3A_11 = arith.extui %sign3A_10 : i1 to i32
    %sign3A_12 = arith.subi %sign3A_8, %sign3A_11 : i32
    %ne3A = arith.cmpi ne, %sign3A_5, %sign3A_12 : i32
    %rem3A = arith.remsi %arg0, %jit3A : i32
    %ne3A_13 = arith.constant 0 : i32
    %ne3A_14 = arith.cmpi ne, %rem3A, %ne3A_13 : i32
    %and3A = arith.andi %ne3A, %ne3A_14 : i1
    %sub3A = arith.constant 1 : i32
    %sub3A_15 = arith.subi %div3A, %sub3A : i32
    %select_n3A = arith.select %and3A, %sub3A_15, %div3A : i32
    %c0_i32 = arith.constant 0 : i32
    %c0_i32_16 = arith.constant 0 : i32
    %c0_i32_17 = arith.constant 0 : i32
    return %select_n3A, %c0_i32, %c0_i32_16 : i32, i32, i32
  }
  func.func @transform_2(%arg0: i32, %arg1: i32) -> (i32, i32, i32) {
    %jit3A = arith.constant 3 : i32
    %div3A = arith.divsi %arg0, %jit3A : i32
    %sign3A = arith.constant 0 : i32
    %sign3A_0 = arith.cmpi sgt, %arg0, %sign3A : i32
    %sign3A_1 = arith.extui %sign3A_0 : i1 to i32
    %sign3A_2 = arith.constant 0 : i32
    %sign3A_3 = arith.cmpi slt, %arg0, %sign3A_2 : i32
    %sign3A_4 = arith.extui %sign3A_3 : i1 to i32
    %sign3A_5 = arith.subi %sign3A_1, %sign3A_4 : i32
    %sign3A_6 = arith.constant 0 : i32
    %sign3A_7 = arith.cmpi sgt, %jit3A, %sign3A_6 : i32
    %sign3A_8 = arith.extui %sign3A_7 : i1 to i32
    %sign3A_9 = arith.constant 0 : i32
    %sign3A_10 = arith.cmpi slt, %jit3A, %sign3A_9 : i32
    %sign3A_11 = arith.extui %sign3A_10 : i1 to i32
    %sign3A_12 = arith.subi %sign3A_8, %sign3A_11 : i32
    %ne3A = arith.cmpi ne, %sign3A_5, %sign3A_12 : i32
    %rem3A = arith.remsi %arg0, %jit3A : i32
    %ne3A_13 = arith.constant 0 : i32
    %ne3A_14 = arith.cmpi ne, %rem3A, %ne3A_13 : i32
    %and3A = arith.andi %ne3A, %ne3A_14 : i1
    %sub3A = arith.constant 1 : i32
    %sub3A_15 = arith.subi %div3A, %sub3A : i32
    %select_n3A = arith.select %and3A, %sub3A_15, %div3A : i32
    %c0_i32 = arith.constant 0 : i32
    %c0_i32_16 = arith.constant 0 : i32
    %c0_i32_17 = arith.constant 0 : i32
    return %select_n3A, %c0_i32, %c0_i32_16 : i32, i32, i32
  }
  func.func @transform_3(%arg0: i32, %arg1: i32) -> (i32, i32) {
    %c0_i32 = arith.constant 0 : i32
    %c0_i32_0 = arith.constant 0 : i32
    return %arg1, %c0_i32 : i32, i32
  }
  func.func @transform_4(%arg0: i32, %arg1: i32) -> (i32, i32) {
    %c0_i32 = arith.constant 0 : i32
    %c0_i32_0 = arith.constant 0 : i32
    return %arg1, %c0_i32 : i32, i32
  }
  func.func @transform_5(%arg0: i32, %arg1: i32) -> (i32, i32) {
    %c0_i32 = arith.constant 0 : i32
    %c0_i32_0 = arith.constant 0 : i32
    %c0_i32_1 = arith.constant 0 : i32
    return %c0_i32, %c0_i32_0 : i32, i32
  }
  func.func @transform_6(%arg0: i32, %arg1: i32) -> (i32, i32) {
    %c0_i32 = arith.constant 0 : i32
    %c0_i32_0 = arith.constant 0 : i32
    %c0_i32_1 = arith.constant 0 : i32
    return %c0_i32, %c0_i32_0 : i32, i32
  }
  func.func @transform_7(%arg0: i32, %arg1: i32) -> i32 {
    %c0_i32 = arith.constant 0 : i32
    %c0_i32_0 = arith.constant 0 : i32
    return %c0_i32 : i32
  }
  func.func @transform_8(%arg0: i32, %arg1: i32) -> (i32, i32, i32) {
    %c0_i32 = arith.constant 0 : i32
    %c0_i32_0 = arith.constant 0 : i32
    return %arg0, %arg1, %c0_i32 : i32, i32, i32
  }
}

module attributes {stable_mosaic.version = 14 : i64} {
  func.func @_k3_body(%arg0: i32, %arg1: memref<256x768xf32, #tpu.memory_space<vmem>>, %arg2: memref<768x768xf32, #tpu.memory_space<vmem>>, %arg3: memref<1x768xf32, #tpu.memory_space<vmem>>, %arg4: memref<256x768xf32, #tpu.memory_space<vmem>>, %arg5: memref<1x768xf32, #tpu.memory_space<vmem>>, %arg6: memref<768x8xf32, #tpu.memory_space<vmem>>, %arg7: memref<1x8xf32, #tpu.memory_space<vmem>>, %arg8: memref<256x768xf32, #tpu.memory_space<vmem>>, %arg9: memref<256x768xf32, #tpu.memory_space<vmem>>, %arg10: memref<256x1xi32, #tpu.memory_space<vmem>>, %arg11: memref<256x1xi32, #tpu.memory_space<vmem>>, %arg12: memref<256x1xf32, #tpu.memory_space<vmem>>, %arg13: memref<256x1xf32, #tpu.memory_space<vmem>>) attributes {dimension_semantics = [#tpu.dimension_semantics<arbitrary>], iteration_bounds = array<i64: 8>, scalar_prefetch = 0 : i64, scratch_operands = 0 : i64, tpu.core_type = #tpu.core_type<tc>, window_params = [{transform_indices = @transform_0, window_bounds = array<i64: 256, 768>}, {pipeline_mode = #tpu.pipeline_mode<synchronous>, transform_indices = @transform_1, window_bounds = array<i64: 768, 768>}, {pipeline_mode = #tpu.pipeline_mode<synchronous>, transform_indices = @transform_2, window_bounds = array<i64: 1, 768>}, {transform_indices = @transform_3, window_bounds = array<i64: 256, 768>}, {pipeline_mode = #tpu.pipeline_mode<synchronous>, transform_indices = @transform_4, window_bounds = array<i64: 1, 768>}, {pipeline_mode = #tpu.pipeline_mode<synchronous>, transform_indices = @transform_5, window_bounds = array<i64: 768, 8>}, {pipeline_mode = #tpu.pipeline_mode<synchronous>, transform_indices = @transform_6, window_bounds = array<i64: 1, 8>}, {transform_indices = @transform_7, window_bounds = array<i64: 256, 768>}, {transform_indices = @transform_8, window_bounds = array<i64: 256, 768>}, {transform_indices = @transform_9, window_bounds = array<i64: 256, 1>}, {transform_indices = @transform_10, window_bounds = array<i64: 256, 1>}, {transform_indices = @transform_11, window_bounds = array<i64: 256, 1>}, {transform_indices = @transform_12, window_bounds = array<i64: 256, 1>}]} {
    %get3A = arith.constant 0 : index
    %get3A_0 = arith.constant 0 : index
    %get3A_1 = vector.load %arg1[%get3A, %get3A_0] : memref<256x768xf32, #tpu.memory_space<vmem>>, vector<256x768xf32>
    %get3A_2 = arith.constant 0 : index
    %get3A_3 = arith.constant 0 : index
    %get3A_4 = vector.load %arg2[%get3A_2, %get3A_3] : memref<768x768xf32, #tpu.memory_space<vmem>>, vector<768x768xf32>
    %dot_general3A = arith.constant dense<0.000000e+00> : vector<256x768xf32>
    %dot_general3A_5 = tpu.matmul %get3A_1, %get3A_4, %dot_general3A {dimension_numbers = #tpu.dot_dimension_numbers<[1], [0], [0], [1], [0, 0, 1, 1], [], []>, transpose_lhs_hint = false} : vector<256x768xf32>, vector<768x768xf32>, vector<256x768xf32> -> vector<256x768xf32>
    %get3A_6 = arith.constant 0 : index
    %get3A_7 = arith.constant 0 : index
    %get3A_8 = vector.load %arg3[%get3A_6, %get3A_7] : memref<1x768xf32, #tpu.memory_space<vmem>>, vector<1x768xf32>
    %add3A = vector.broadcast %get3A_8 : vector<1x768xf32> to vector<256x768xf32>
    %add3A_9 = arith.addf %dot_general3A_5, %add3A : vector<256x768xf32>
    %get3A_10 = arith.constant 0 : index
    %get3A_11 = arith.constant 0 : index
    %get3A_12 = vector.load %arg4[%get3A_10, %get3A_11] : memref<256x768xf32, #tpu.memory_space<vmem>>, vector<256x768xf32>
    %add3A_13 = arith.addf %add3A_9, %get3A_12 : vector<256x768xf32>
    %swap3A = arith.constant 0 : index
    %swap3A_14 = arith.constant 0 : index
    %swap3A_15 = vector.load %arg8[%swap3A, %swap3A_14] : memref<256x768xf32, #tpu.memory_space<vmem>>, vector<256x768xf32>
    tpu.vector_store %arg8[%swap3A, %swap3A_14], %add3A_13 {strides = array<i32>} : memref<256x768xf32, #tpu.memory_space<vmem>>, vector<256x768xf32>,
    %get3A_16 = arith.constant 0 : index
    %get3A_17 = arith.constant 0 : index
    %get3A_18 = vector.load %arg5[%get3A_16, %get3A_17] : memref<1x768xf32, #tpu.memory_space<vmem>>, vector<1x768xf32>
    %square3A = arith.mulf %add3A_13, %add3A_13 : vector<256x768xf32>
    %reduce_sum3A = arith.constant dense<0.000000e+00> : vector<256xf32>
    %reduce_sum3A_19 = vector.multi_reduction <add>, %square3A, %reduce_sum3A [1] : vector<256x768xf32> to vector<256xf32>
    %broadcast_in_dim3A = vector.shape_cast %reduce_sum3A_19 : vector<256xf32> to vector<256x1xf32>
    %div3A = arith.constant 7.680000e+02 : f32
    %div3A_20 = vector.broadcast %div3A : f32 to vector<256x1xf32>
    %div3A_21 = arith.divf %broadcast_in_dim3A, %div3A_20 : vector<256x1xf32>
    %add3A_22 = arith.constant 9.99999974E-6 : f32
    %add3A_23 = vector.broadcast %add3A_22 : f32 to vector<256x1xf32>
    %add3A_24 = arith.addf %div3A_21, %add3A_23 : vector<256x1xf32>
    %rsqrt3A = math.rsqrt %add3A_24 : vector<256x1xf32>
    %mul3A = vector.broadcast %rsqrt3A : vector<256x1xf32> to vector<256x768xf32>
    %mul3A_25 = arith.mulf %add3A_13, %mul3A : vector<256x768xf32>
    %mul3A_26 = vector.broadcast %get3A_18 : vector<1x768xf32> to vector<256x768xf32>
    %mul3A_27 = arith.mulf %mul3A_25, %mul3A_26 : vector<256x768xf32>
    %swap3A_28 = arith.constant 0 : index
    %swap3A_29 = arith.constant 0 : index
    %swap3A_30 = vector.load %arg9[%swap3A_28, %swap3A_29] : memref<256x768xf32, #tpu.memory_space<vmem>>, vector<256x768xf32>
    tpu.vector_store %arg9[%swap3A_28, %swap3A_29], %mul3A_27 {strides = array<i32>} : memref<256x768xf32, #tpu.memory_space<vmem>>, vector<256x768xf32>,
    %get3A_31 = arith.constant 0 : index
    %get3A_32 = arith.constant 0 : index
    %get3A_33 = vector.load %arg6[%get3A_31, %get3A_32] : memref<768x8xf32, #tpu.memory_space<vmem>>, vector<768x8xf32>
    %dot_general3A_34 = arith.constant dense<0.000000e+00> : vector<256x8xf32>
    %dot_general3A_35 = tpu.matmul %mul3A_27, %get3A_33, %dot_general3A_34 {dimension_numbers = #tpu.dot_dimension_numbers<[1], [0], [0], [1], [0, 0, 1, 1], [], []>, transpose_lhs_hint = false} : vector<256x768xf32>, vector<768x8xf32>, vector<256x8xf32> -> vector<256x8xf32>
    %get3A_36 = arith.constant 0 : index
    %get3A_37 = arith.constant 0 : index
    %get3A_38 = vector.load %arg7[%get3A_36, %get3A_37] : memref<1x8xf32, #tpu.memory_space<vmem>>, vector<1x8xf32>
    %add3A_39 = vector.broadcast %get3A_38 : vector<1x8xf32> to vector<256x8xf32>
    %add3A_40 = arith.addf %dot_general3A_35, %add3A_39 : vector<256x8xf32>
    %reduce_max3A = arith.constant dense<0xFF800000> : vector<256xf32>
    %reduce_max3A_41 = vector.multi_reduction <maximumf>, %add3A_40, %reduce_max3A [1] : vector<256x8xf32> to vector<256xf32>
    %broadcast_in_dim3A_42 = vector.shape_cast %reduce_max3A_41 : vector<256xf32> to vector<256x1xf32>
    %iota3A = tpu.iota {dimensions = array<i32: 1>} : vector<256x8xi32>
    %eq3A = vector.broadcast %broadcast_in_dim3A_42 : vector<256x1xf32> to vector<256x8xf32>
    %eq3A_43 = arith.cmpf oeq, %add3A_40, %eq3A : vector<256x8xf32>
    %jit3A = arith.constant 8 : i32
    %broadcast_in_dim3A_44 = vector.broadcast %jit3A : i32 to vector<256x8xi32>
    %select_n3A = arith.select %eq3A_43, %iota3A, %broadcast_in_dim3A_44 : vector<256x8xi1>, vector<256x8xi32>
    %reduce_min3A = arith.constant dense<2147483647> : vector<256xi32>
    %reduce_min3A_45 = vector.multi_reduction <minsi>, %select_n3A, %reduce_min3A [1] : vector<256x8xi32> to vector<256xi32>
    %broadcast_in_dim3A_46 = vector.shape_cast %reduce_min3A_45 : vector<256xi32> to vector<256x1xi32>
    %eq3A_47 = vector.broadcast %broadcast_in_dim3A_46 : vector<256x1xi32> to vector<256x8xi32>
    %eq3A_48 = arith.cmpi eq, %iota3A, %eq3A_47 : vector<256x8xi32>
    %jit3A_49 = arith.constant 0xFF800000 : f32
    %broadcast_in_dim3A_50 = vector.broadcast %jit3A_49 : f32 to vector<256x8xf32>
    %select_n3A_51 = arith.select %eq3A_48, %broadcast_in_dim3A_50, %add3A_40 : vector<256x8xi1>, vector<256x8xf32>
    %reduce_max3A_52 = arith.constant dense<0xFF800000> : vector<256xf32>
    %reduce_max3A_53 = vector.multi_reduction <maximumf>, %select_n3A_51, %reduce_max3A_52 [1] : vector<256x8xf32> to vector<256xf32>
    %broadcast_in_dim3A_54 = vector.shape_cast %reduce_max3A_53 : vector<256xf32> to vector<256x1xf32>
    %eq3A_55 = vector.broadcast %broadcast_in_dim3A_54 : vector<256x1xf32> to vector<256x8xf32>
    %eq3A_56 = arith.cmpf oeq, %select_n3A_51, %eq3A_55 : vector<256x8xf32>
    %jit3A_57 = arith.constant 8 : i32
    %broadcast_in_dim3A_58 = vector.broadcast %jit3A_57 : i32 to vector<256x8xi32>
    %select_n3A_59 = arith.select %eq3A_56, %iota3A, %broadcast_in_dim3A_58 : vector<256x8xi1>, vector<256x8xi32>
    %reduce_min3A_60 = arith.constant dense<2147483647> : vector<256xi32>
    %reduce_min3A_61 = vector.multi_reduction <minsi>, %select_n3A_59, %reduce_min3A_60 [1] : vector<256x8xi32> to vector<256xi32>
    %broadcast_in_dim3A_62 = vector.shape_cast %reduce_min3A_61 : vector<256xi32> to vector<256x1xi32>
    %sub3A = arith.subf %broadcast_in_dim3A_54, %broadcast_in_dim3A_42 : vector<256x1xf32>
    %exp3A = math.exp %sub3A : vector<256x1xf32>
    %add3A_63 = arith.constant 1.000000e+00 : f32
    %add3A_64 = vector.broadcast %add3A_63 : f32 to vector<256x1xf32>
    %add3A_65 = arith.addf %add3A_64, %exp3A : vector<256x1xf32>
    %div3A_66 = arith.constant 1.000000e+00 : f32
    %div3A_67 = vector.broadcast %div3A_66 : f32 to vector<256x1xf32>
    %div3A_68 = arith.divf %div3A_67, %add3A_65 : vector<256x1xf32>
    %swap3A_69 = arith.constant 0 : index
    %swap3A_70 = arith.constant 0 : index
    %swap3A_71 = vector.load %arg10[%swap3A_69, %swap3A_70] : memref<256x1xi32, #tpu.memory_space<vmem>>, vector<256x1xi32>
    tpu.vector_store %arg10[%swap3A_69, %swap3A_70], %broadcast_in_dim3A_46 {strides = array<i32>} : memref<256x1xi32, #tpu.memory_space<vmem>>, vector<256x1xi32>,
    %swap3A_72 = arith.constant 0 : index
    %swap3A_73 = arith.constant 0 : index
    %swap3A_74 = vector.load %arg11[%swap3A_72, %swap3A_73] : memref<256x1xi32, #tpu.memory_space<vmem>>, vector<256x1xi32>
    tpu.vector_store %arg11[%swap3A_72, %swap3A_73], %broadcast_in_dim3A_62 {strides = array<i32>} : memref<256x1xi32, #tpu.memory_space<vmem>>, vector<256x1xi32>,
    %swap3A_75 = arith.constant 0 : index
    %swap3A_76 = arith.constant 0 : index
    %swap3A_77 = vector.load %arg12[%swap3A_75, %swap3A_76] : memref<256x1xf32, #tpu.memory_space<vmem>>, vector<256x1xf32>
    tpu.vector_store %arg12[%swap3A_75, %swap3A_76], %div3A_68 {strides = array<i32>} : memref<256x1xf32, #tpu.memory_space<vmem>>, vector<256x1xf32>,
    %mul3A_78 = arith.mulf %exp3A, %div3A_68 : vector<256x1xf32>
    %swap3A_79 = arith.constant 0 : index
    %swap3A_80 = arith.constant 0 : index
    %swap3A_81 = vector.load %arg13[%swap3A_79, %swap3A_80] : memref<256x1xf32, #tpu.memory_space<vmem>>, vector<256x1xf32>
    tpu.vector_store %arg13[%swap3A_79, %swap3A_80], %mul3A_78 {strides = array<i32>} : memref<256x1xf32, #tpu.memory_space<vmem>>, vector<256x1xf32>,
    return
  }
  func.func @transform_0(%arg0: i32) -> (i32, i32) {
    %c0_i32 = arith.constant 0 : i32
    %c0_i32_0 = arith.constant 0 : i32
    return %arg0, %c0_i32 : i32, i32
  }
  func.func @transform_1(%arg0: i32) -> (i32, i32) {
    %c0_i32 = arith.constant 0 : i32
    %c0_i32_0 = arith.constant 0 : i32
    %c0_i32_1 = arith.constant 0 : i32
    return %c0_i32, %c0_i32_0 : i32, i32
  }
  func.func @transform_2(%arg0: i32) -> (i32, i32) {
    %c0_i32 = arith.constant 0 : i32
    %c0_i32_0 = arith.constant 0 : i32
    %c0_i32_1 = arith.constant 0 : i32
    return %c0_i32, %c0_i32_0 : i32, i32
  }
  func.func @transform_3(%arg0: i32) -> (i32, i32) {
    %c0_i32 = arith.constant 0 : i32
    %c0_i32_0 = arith.constant 0 : i32
    return %arg0, %c0_i32 : i32, i32
  }
  func.func @transform_4(%arg0: i32) -> (i32, i32) {
    %c0_i32 = arith.constant 0 : i32
    %c0_i32_0 = arith.constant 0 : i32
    %c0_i32_1 = arith.constant 0 : i32
    return %c0_i32, %c0_i32_0 : i32, i32
  }
  func.func @transform_5(%arg0: i32) -> (i32, i32) {
    %c0_i32 = arith.constant 0 : i32
    %c0_i32_0 = arith.constant 0 : i32
    %c0_i32_1 = arith.constant 0 : i32
    return %c0_i32, %c0_i32_0 : i32, i32
  }
  func.func @transform_6(%arg0: i32) -> (i32, i32) {
    %c0_i32 = arith.constant 0 : i32
    %c0_i32_0 = arith.constant 0 : i32
    %c0_i32_1 = arith.constant 0 : i32
    return %c0_i32, %c0_i32_0 : i32, i32
  }
  func.func @transform_7(%arg0: i32) -> (i32, i32) {
    %c0_i32 = arith.constant 0 : i32
    %c0_i32_0 = arith.constant 0 : i32
    return %arg0, %c0_i32 : i32, i32
  }
  func.func @transform_8(%arg0: i32) -> (i32, i32) {
    %c0_i32 = arith.constant 0 : i32
    %c0_i32_0 = arith.constant 0 : i32
    return %arg0, %c0_i32 : i32, i32
  }
  func.func @transform_9(%arg0: i32) -> (i32, i32) {
    %c0_i32 = arith.constant 0 : i32
    %c0_i32_0 = arith.constant 0 : i32
    return %arg0, %c0_i32 : i32, i32
  }
  func.func @transform_10(%arg0: i32) -> (i32, i32) {
    %c0_i32 = arith.constant 0 : i32
    %c0_i32_0 = arith.constant 0 : i32
    return %arg0, %c0_i32 : i32, i32
  }
  func.func @transform_11(%arg0: i32) -> (i32, i32) {
    %c0_i32 = arith.constant 0 : i32
    %c0_i32_0 = arith.constant 0 : i32
    return %arg0, %c0_i32 : i32, i32
  }
  func.func @transform_12(%arg0: i32) -> (i32, i32) {
    %c0_i32 = arith.constant 0 : i32
    %c0_i32_0 = arith.constant 0 : i32
    return %arg0, %c0_i32 : i32, i32
  }
}

module attributes {stable_mosaic.version = 14 : i64} {
  func.func @_k4_body(%arg0: i32, %arg1: memref<48xi32, #tpu.memory_space<smem>>, %arg2: memref<128x768xf32, #tpu.memory_space<vmem>>, %arg3: memref<1x768x1536xf32, #tpu.memory_space<vmem>>, %arg4: memref<1x1x1536xf32, #tpu.memory_space<vmem>>, %arg5: memref<1536x768xf32, #tpu.memory_space<vmem>>, %arg6: memref<1x768x768xf32, #tpu.memory_space<vmem>>, %arg7: memref<1x1x768xf32, #tpu.memory_space<vmem>>, %arg8: memref<128x768xf32, #tpu.memory_space<vmem>>) attributes {dimension_semantics = [#tpu.dimension_semantics<arbitrary>], iteration_bounds = array<i64: 40>, scalar_prefetch = 1 : i64, scratch_operands = 0 : i64, tpu.core_type = #tpu.core_type<tc>, window_params = [{transform_indices = @transform_0, window_bounds = array<i64: 128, 768>}, {transform_indices = @transform_1, window_bounds = array<i64: 1, 768, 1536>}, {transform_indices = @transform_2, window_bounds = array<i64: 1, 1, 1536>}, {pipeline_mode = #tpu.pipeline_mode<synchronous>, transform_indices = @transform_3, window_bounds = array<i64: 1536, 768>}, {transform_indices = @transform_4, window_bounds = array<i64: 1, 768, 768>}, {transform_indices = @transform_5, window_bounds = array<i64: 1, 1, 768>}, {transform_indices = @transform_6, window_bounds = array<i64: 128, 768>}]} {
    %get3A = arith.constant 0 : index
    %get3A_0 = arith.constant 0 : index
    %get3A_1 = vector.load %arg2[%get3A, %get3A_0] : memref<128x768xf32, #tpu.memory_space<vmem>>, vector<128x768xf32>
    %get3A_2 = arith.constant 0 : index
    %get3A_3 = arith.constant 0 : index
    %get3A_4 = arith.constant 0 : index
    %get3A_5 = vector.load %arg3[%get3A_2, %get3A_3, %get3A_4] : memref<1x768x1536xf32, #tpu.memory_space<vmem>>, vector<1x768x1536xf32>
    %get3A_6 = vector.shape_cast %get3A_5 : vector<1x768x1536xf32> to vector<768x1536xf32>
    %dot_general3A = arith.constant dense<0.000000e+00> : vector<128x1536xf32>
    %dot_general3A_7 = tpu.matmul %get3A_1, %get3A_6, %dot_general3A {dimension_numbers = #tpu.dot_dimension_numbers<[1], [0], [0], [1], [0, 0, 1, 1], [], []>, transpose_lhs_hint = false} : vector<128x768xf32>, vector<768x1536xf32>, vector<128x1536xf32> -> vector<128x1536xf32>
    %get3A_8 = arith.constant 0 : index
    %get3A_9 = arith.constant 0 : index
    %get3A_10 = arith.constant 0 : index
    %get3A_11 = vector.load %arg4[%get3A_8, %get3A_9, %get3A_10] : memref<1x1x1536xf32, #tpu.memory_space<vmem>>, vector<1x1x1536xf32>
    %get3A_12 = vector.shape_cast %get3A_11 : vector<1x1x1536xf32> to vector<1x1536xf32>
    %add3A = vector.broadcast %get3A_12 : vector<1x1536xf32> to vector<128x1536xf32>
    %add3A_13 = arith.addf %dot_general3A_7, %add3A : vector<128x1536xf32>
    %min3A = arith.constant 7.000000e+00 : f32
    %min3A_14 = vector.broadcast %min3A : f32 to vector<128x1536xf32>
    %min3A_15 = arith.minimumf %add3A_13, %min3A_14 : vector<128x1536xf32>
    %roll3A = arith.constant 1535 : i32
    %roll3A_16 = tpu.dynamic_rotate %add3A_13 by %roll3A dim 1 : vector<128x1536xf32>, i32 -> vector<128x1536xf32>
    %jit3A = arith.constant -7.000000e+00 : f32
    %jit3A_17 = arith.constant 7.000000e+00 : f32
    %max3A = vector.broadcast %jit3A : f32 to vector<128x1536xf32>
    %max3A_18 = arith.maximumf %max3A, %roll3A_16 : vector<128x1536xf32>
    %min3A_19 = vector.broadcast %jit3A_17 : f32 to vector<128x1536xf32>
    %min3A_20 = arith.minimumf %min3A_19, %max3A_18 : vector<128x1536xf32>
    %mul3A = arith.constant 1.702000e+00 : f32
    %mul3A_21 = vector.broadcast %mul3A : f32 to vector<128x1536xf32>
    %mul3A_22 = arith.mulf %min3A_15, %mul3A_21 : vector<128x1536xf32>
    %logistic3A = arith.negf %mul3A_22 : vector<128x1536xf32>
    %logistic3A_23 = math.exp %logistic3A : vector<128x1536xf32>
    %logistic3A_24 = arith.constant 1.000000e+00 : f32
    %logistic3A_25 = vector.broadcast %logistic3A_24 : f32 to vector<128x1536xf32>
    %logistic3A_26 = arith.addf %logistic3A_25, %logistic3A_23 : vector<128x1536xf32>
    %logistic3A_27 = arith.divf %logistic3A_25, %logistic3A_26 : vector<128x1536xf32>
    %mul3A_28 = arith.mulf %min3A_15, %logistic3A_27 : vector<128x1536xf32>
    %add3A_29 = arith.constant 1.000000e+00 : f32
    %add3A_30 = vector.broadcast %add3A_29 : f32 to vector<128x1536xf32>
    %add3A_31 = arith.addf %min3A_20, %add3A_30 : vector<128x1536xf32>
    %mul3A_32 = arith.mulf %add3A_31, %mul3A_28 : vector<128x1536xf32>
    %get3A_33 = arith.constant 0 : index
    %get3A_34 = arith.constant 0 : index
    %get3A_35 = vector.load %arg5[%get3A_33, %get3A_34] : memref<1536x768xf32, #tpu.memory_space<vmem>>, vector<1536x768xf32>
    %dot_general3A_36 = arith.constant dense<0.000000e+00> : vector<128x768xf32>
    %dot_general3A_37 = tpu.matmul %mul3A_32, %get3A_35, %dot_general3A_36 {dimension_numbers = #tpu.dot_dimension_numbers<[1], [0], [0], [1], [0, 0, 1, 1], [], []>, transpose_lhs_hint = false} : vector<128x1536xf32>, vector<1536x768xf32>, vector<128x768xf32> -> vector<128x768xf32>
    %get3A_38 = arith.constant 0 : index
    %get3A_39 = arith.constant 0 : index
    %get3A_40 = arith.constant 0 : index
    %get3A_41 = vector.load %arg6[%get3A_38, %get3A_39, %get3A_40] : memref<1x768x768xf32, #tpu.memory_space<vmem>>, vector<1x768x768xf32>
    %get3A_42 = vector.shape_cast %get3A_41 : vector<1x768x768xf32> to vector<768x768xf32>
    %dot_general3A_43 = arith.constant dense<0.000000e+00> : vector<128x768xf32>
    %dot_general3A_44 = tpu.matmul %dot_general3A_37, %get3A_42, %dot_general3A_43 {dimension_numbers = #tpu.dot_dimension_numbers<[1], [0], [0], [1], [0, 0, 1, 1], [], []>, transpose_lhs_hint = false} : vector<128x768xf32>, vector<768x768xf32>, vector<128x768xf32> -> vector<128x768xf32>
    %get3A_45 = arith.constant 0 : index
    %get3A_46 = arith.constant 0 : index
    %get3A_47 = arith.constant 0 : index
    %get3A_48 = vector.load %arg7[%get3A_45, %get3A_46, %get3A_47] : memref<1x1x768xf32, #tpu.memory_space<vmem>>, vector<1x1x768xf32>
    %get3A_49 = vector.shape_cast %get3A_48 : vector<1x1x768xf32> to vector<1x768xf32>
    %add3A_50 = vector.broadcast %get3A_49 : vector<1x768xf32> to vector<128x768xf32>
    %add3A_51 = arith.addf %dot_general3A_44, %add3A_50 : vector<128x768xf32>
    %swap3A = arith.constant 0 : index
    %swap3A_52 = arith.constant 0 : index
    %swap3A_53 = vector.load %arg8[%swap3A, %swap3A_52] : memref<128x768xf32, #tpu.memory_space<vmem>>, vector<128x768xf32>
    tpu.vector_store %arg8[%swap3A, %swap3A_52], %add3A_51 {strides = array<i32>} : memref<128x768xf32, #tpu.memory_space<vmem>>, vector<128x768xf32>,
    return
  }
  func.func @transform_0(%arg0: i32, %arg1: memref<48xi32, #tpu.memory_space<smem>>) -> (i32, i32) {
    %c0_i32 = arith.constant 0 : i32
    %c0_i32_0 = arith.constant 0 : i32
    return %arg0, %c0_i32 : i32, i32
  }
  func.func @transform_1(%arg0: i32, %arg1: memref<48xi32, #tpu.memory_space<smem>>) -> (i32, i32, i32) {
    %get3A = arith.index_cast %arg0 : i32 to index
    %get3A_0 = memref.load %arg1[%get3A] : memref<48xi32, #tpu.memory_space<smem>>
    %c0_i32 = arith.constant 0 : i32
    %c0_i32_1 = arith.constant 0 : i32
    %c0_i32_2 = arith.constant 0 : i32
    return %get3A_0, %c0_i32, %c0_i32_1 : i32, i32, i32
  }
  func.func @transform_2(%arg0: i32, %arg1: memref<48xi32, #tpu.memory_space<smem>>) -> (i32, i32, i32) {
    %get3A = arith.index_cast %arg0 : i32 to index
    %get3A_0 = memref.load %arg1[%get3A] : memref<48xi32, #tpu.memory_space<smem>>
    %c0_i32 = arith.constant 0 : i32
    %c0_i32_1 = arith.constant 0 : i32
    %c0_i32_2 = arith.constant 0 : i32
    return %get3A_0, %c0_i32, %c0_i32_1 : i32, i32, i32
  }
  func.func @transform_3(%arg0: i32, %arg1: memref<48xi32, #tpu.memory_space<smem>>) -> (i32, i32) {
    %c0_i32 = arith.constant 0 : i32
    %c0_i32_0 = arith.constant 0 : i32
    %c0_i32_1 = arith.constant 0 : i32
    return %c0_i32, %c0_i32_0 : i32, i32
  }
  func.func @transform_4(%arg0: i32, %arg1: memref<48xi32, #tpu.memory_space<smem>>) -> (i32, i32, i32) {
    %get3A = arith.index_cast %arg0 : i32 to index
    %get3A_0 = memref.load %arg1[%get3A] : memref<48xi32, #tpu.memory_space<smem>>
    %c0_i32 = arith.constant 0 : i32
    %c0_i32_1 = arith.constant 0 : i32
    %c0_i32_2 = arith.constant 0 : i32
    return %get3A_0, %c0_i32, %c0_i32_1 : i32, i32, i32
  }
  func.func @transform_5(%arg0: i32, %arg1: memref<48xi32, #tpu.memory_space<smem>>) -> (i32, i32, i32) {
    %get3A = arith.index_cast %arg0 : i32 to index
    %get3A_0 = memref.load %arg1[%get3A] : memref<48xi32, #tpu.memory_space<smem>>
    %c0_i32 = arith.constant 0 : i32
    %c0_i32_1 = arith.constant 0 : i32
    %c0_i32_2 = arith.constant 0 : i32
    return %get3A_0, %c0_i32, %c0_i32_1 : i32, i32, i32
  }
  func.func @transform_6(%arg0: i32, %arg1: memref<48xi32, #tpu.memory_space<smem>>) -> (i32, i32) {
    %c0_i32 = arith.constant 0 : i32
    %c0_i32_0 = arith.constant 0 : i32
    return %arg0, %c0_i32 : i32, i32
  }
}

module attributes {stable_mosaic.version = 14 : i64} {
  func.func @_k5_body(%arg0: i32, %arg1: memref<256x768xf32, #tpu.memory_space<vmem>>, %arg2: memref<256x768xf32, #tpu.memory_space<vmem>>, %arg3: memref<256x768xf32, #tpu.memory_space<vmem>>, %arg4: memref<256x1xf32, #tpu.memory_space<vmem>>, %arg5: memref<256x1xf32, #tpu.memory_space<vmem>>, %arg6: memref<256x768xf32, #tpu.memory_space<vmem>>) attributes {dimension_semantics = [#tpu.dimension_semantics<arbitrary>], iteration_bounds = array<i64: 8>, scalar_prefetch = 0 : i64, scratch_operands = 0 : i64, tpu.core_type = #tpu.core_type<tc>, window_params = [{transform_indices = @transform_0, window_bounds = array<i64: 256, 768>}, {transform_indices = @transform_1, window_bounds = array<i64: 256, 768>}, {transform_indices = @transform_2, window_bounds = array<i64: 256, 768>}, {transform_indices = @transform_3, window_bounds = array<i64: 256, 1>}, {transform_indices = @transform_4, window_bounds = array<i64: 256, 1>}, {transform_indices = @transform_5, window_bounds = array<i64: 256, 768>}]} {
    %get3A = arith.constant 0 : index
    %get3A_0 = arith.constant 0 : index
    %get3A_1 = vector.load %arg1[%get3A, %get3A_0] : memref<256x768xf32, #tpu.memory_space<vmem>>, vector<256x768xf32>
    %get3A_2 = arith.constant 0 : index
    %get3A_3 = arith.constant 0 : index
    %get3A_4 = vector.load %arg4[%get3A_2, %get3A_3] : memref<256x1xf32, #tpu.memory_space<vmem>>, vector<256x1xf32>
    %get3A_5 = arith.constant 0 : index
    %get3A_6 = arith.constant 0 : index
    %get3A_7 = vector.load %arg2[%get3A_5, %get3A_6] : memref<256x768xf32, #tpu.memory_space<vmem>>, vector<256x768xf32>
    %mul3A = vector.broadcast %get3A_4 : vector<256x1xf32> to vector<256x768xf32>
    %mul3A_8 = arith.mulf %mul3A, %get3A_7 : vector<256x768xf32>
    %add3A = arith.addf %get3A_1, %mul3A_8 : vector<256x768xf32>
    %get3A_9 = arith.constant 0 : index
    %get3A_10 = arith.constant 0 : index
    %get3A_11 = vector.load %arg5[%get3A_9, %get3A_10] : memref<256x1xf32, #tpu.memory_space<vmem>>, vector<256x1xf32>
    %get3A_12 = arith.constant 0 : index
    %get3A_13 = arith.constant 0 : index
    %get3A_14 = vector.load %arg3[%get3A_12, %get3A_13] : memref<256x768xf32, #tpu.memory_space<vmem>>, vector<256x768xf32>
    %mul3A_15 = vector.broadcast %get3A_11 : vector<256x1xf32> to vector<256x768xf32>
    %mul3A_16 = arith.mulf %mul3A_15, %get3A_14 : vector<256x768xf32>
    %add3A_17 = arith.addf %add3A, %mul3A_16 : vector<256x768xf32>
    %swap3A = arith.constant 0 : index
    %swap3A_18 = arith.constant 0 : index
    %swap3A_19 = vector.load %arg6[%swap3A, %swap3A_18] : memref<256x768xf32, #tpu.memory_space<vmem>>, vector<256x768xf32>
    tpu.vector_store %arg6[%swap3A, %swap3A_18], %add3A_17 {strides = array<i32>} : memref<256x768xf32, #tpu.memory_space<vmem>>, vector<256x768xf32>,
    return
  }
  func.func @transform_0(%arg0: i32) -> (i32, i32) {
    %c0_i32 = arith.constant 0 : i32
    %c0_i32_0 = arith.constant 0 : i32
    return %arg0, %c0_i32 : i32, i32
  }
  func.func @transform_1(%arg0: i32) -> (i32, i32) {
    %c0_i32 = arith.constant 0 : i32
    %c0_i32_0 = arith.constant 0 : i32
    return %arg0, %c0_i32 : i32, i32
  }
  func.func @transform_2(%arg0: i32) -> (i32, i32) {
    %c0_i32 = arith.constant 0 : i32
    %c0_i32_0 = arith.constant 0 : i32
    return %arg0, %c0_i32 : i32, i32
  }
  func.func @transform_3(%arg0: i32) -> (i32, i32) {
    %c0_i32 = arith.constant 0 : i32
    %c0_i32_0 = arith.constant 0 : i32
    return %arg0, %c0_i32 : i32, i32
  }
  func.func @transform_4(%arg0: i32) -> (i32, i32) {
    %c0_i32 = arith.constant 0 : i32
    %c0_i32_0 = arith.constant 0 : i32
    return %arg0, %c0_i32 : i32, i32
  }
  func.func @transform_5(%arg0: i32) -> (i32, i32) {
    %c0_i32 = arith.constant 0 : i32
    %c0_i32_0 = arith.constant 0 : i32
    return %arg0, %c0_i32 : i32, i32
  }
}

</mosaic_0001>

<sc_bundles>
// kernel: kernel.10.cloned.1.call-start
scs
__scs_entry_jumppad:
0x0: {  	(pc) =	sbr.rel $0x88, $3  }
0x1: {  	(tag) =	ssettag $0x0;
	lr =	simm.s32 $0x1  }
0x2: {  	[smem:$0x3F8F] =	sst lr;
	_ =	strace $0xD0000000  }
0x3: {  	_ = 	snop  }
0x4: {  	_ = 	snop  }
0x5: {  	_ = 	snop  }
0x6: {  	_ = 	snop  }
0x7: {  	_ = 	snop  }
__scs_overlays_trampoline_lowered:
0x8: {  	[smem:$0x3F9E] =	sst s0  }
0x9: {  	[smem:$0x3F9F] =	sst s1  }
0xa: {  	[smem:$0x3FA0] =	sst s2  }
0xb: {  	[smem:$0x3FA1] =	sst s3  }
0xc: {  	[smem:$0x3FA2] =	sst s4  }
0xd: {  	[smem:$0x3FA3] =	sst s5  }
0xe: {  	[smem:$0x3FA4] =	sst s6  }
0xf: {  	[smem:$0x3FA5] =	sst s7  }
0x10: {  	[smem:$0x3FA6] =	sst s8  }
0x11: {  	[smem:$0x3FA7] =	sst s9;
	s0 =	simm.s32 @!p0 $0x0  }
0x12: {  	s1 =	sld [smem:$0x3F8D];
	s0 =	simm.s32 @p0 $0x1  }
0x13: {  	[smem:$0x3FA8] =	sst s0;
	s0 =	simm.s32 @!p1 $0x0  }
0x14: {  	s2 =	sld [smem:$0x3F8C];
	s0 =	simm.s32 @p1 $0x1  }
0x15: {  	[smem:$0x3FA9] =	sst s0;
	s0 =	simm.s32 @!p2 $0x0  }
0x16: {  	s3 =	sld [smem:$0x3FDB];
	s0 =	simm.s32 @p2 $0x1  }
0x17: {  	s4 =	simm.s32 $0x1BF5;
	[smem:$0x3FAB] =	sst s0  }
0x18: {  	s0 =	sld [smem:$0x3F8E];
	_ =	swait.ge [sflag:s4], $0x0  }
0x19: {  	s7 =	sld [smem:$0x3F8F]  }
0x1a: {  	s8 =	sadd.s32 $0xFFFFE003, lr  }
0x1b: {  	s9 =	sadd.s32 $0xFFFFFEF7, lr;
	s5 =	simm.s32 $0xFFFFFFFF;
	p2 =	slt.u32 s8, $0xFFFFF086  }
0x1c: {  	p1 =	slt.u32 s9, $0xF7A;
	s5 =	simm.s32 @!p2 $0x0  }
0x1d: {  	s5 =	simm.s32 @p1 $0x1;
	p0 =	seq.s32 s7, s2  }
0x1e: {  	s7 =	smul.u32 @!p0 $0xF7A, s2;
	p2 =	seq.s32 @!p0 s5, $0x0  }
0x1f: {  	s9 =	smul.u32 $0xF7A, s1;
	s8 =	simm.s32 @!p0 $0x1BF5;
	p2 =	por !p2, p0  }
0x20: {  	[sflag:s8] =	ssyncset.s32 @!p0 $0xFFFFF086;
	s6 =	sadd.s32 @!p0 s3, s7;
	s7 =	simm.s32 @!p0 $0x108  }
0x21: {  	s3 =	sadd.s32 s3, s9;
	s6 =	sadd.s32 @!p0 $0x88, s6;
	s7 =	simm.s32 @p2 $0x1082  }
0x22: {  	[simem:s7], [sflag:s8] =	dma.local @!p0 [hbm:s6], $0xF7A  }
0x23: {  	s9 =	sor.u32 $0xD0000000, s2;
	s6 =	simm.s32 $0x108;
	_ =	swait.ge @!p0 [sflag:s8], $0x0  }
0x24: {  	s3 =	sadd.s32 $0x88, s3;
	s6 =	simm.s32 @!p1 $0x1082;
	[sflag:s4] =	ssyncset.s32 $0xFFFFF086  }
0x25: {  	[simem:s6], [sflag:s4] =	dma.local [hbm:s3], $0xF7A  }
0x26: {  	[smem:$0x3F8F] =	sst s1;
	(tag) =	ssettag s2;
	_ =	strace s9  }
0x27: {  	s1 =	sld [smem:$0x3F9F]  }
0x28: {  	s2 =	sld [smem:$0x3FA0]  }
0x29: {  	s4 =	sld [smem:$0x3FA2]  }
0x2a: {  	p0 =	seq.s32 s5, $0x0;
	s5 =	sld [smem:$0x3FA3]  }
0x2b: {  	s6 =	sld [smem:$0x3FA4]  }
0x2c: {  	s7 =	sld [smem:$0x3FA5]  }
0x2d: {  	s3 =	simm.s32 $0x108;
	s8 =	sld [smem:$0x3FA6]  }
0x2e: {  	s3 =	simm.s32 @!p0 $0x1082;
	s9 =	sld [smem:$0x3FA7]  }
0x2f: {  	lr =	sadd.s32 s0, s3;
	s0 =	sld [smem:$0x3F9E]  }
0x30: {  	s3 =	sld [smem:$0x3FA1]  }
0x31: {  	[smem:$0x3FAA] =	sst s10  }
0x32: {  	s10 =	sld [smem:$0x3FA8];
	_ =	sdelay $0x3  }
0x33: {  	p0 =	seq.s32 s10, $0x1;
	s10 =	sld [smem:$0x3FAA];
	_ =	sdelay $0x3  }
0x34: {  	[smem:$0x3FAA] =	sst s10  }
0x35: {  	s10 =	sld [smem:$0x3FA9];
	_ =	sdelay $0x3  }
0x36: {  	p1 =	seq.s32 s10, $0x1;
	s10 =	sld [smem:$0x3FAA];
	_ =	sdelay $0x3  }
0x37: {  	[smem:$0x3FAA] =	sst s10  }
0x38: {  	s10 =	sld [smem:$0x3FAB]  }
0x39: {  	_ = 	snop;
	(pc) =	sbr.ind lr, $3  }
0x3a: {  	_ = 	snop  }
0x3b: {  	_ = 	snop  }
0x3c: {  	p2 =	seq.s32 s10, $0x1;
	s10 =	sld [smem:$0x3FAA]  }
0x3d: {  	_ =	shalt  }
0x3e: {  	_ =	shalt  }
0x3f: {  	_ =	shalt  }
0x40: {  	_ =	shalt  }
0x41: {  	_ =	shalt  }
0x42: {  	_ =	shalt  }
0x43: {  	_ =	shalt  }
0x44: {  	_ =	shalt  }
0x45: {  	_ =	shalt  }
0x46: {  	_ =	shalt  }
0x47: {  	_ =	shalt  }
0x48: {  	_ =	shalt  }
0x49: {  	_ =	shalt  }
0x4a: {  	_ =	shalt  }
0x4b: {  	_ =	shalt  }
0x4c: {  	_ =	shalt  }
0x4d: {  	_ =	shalt  }
0x4e: {  	_ =	shalt  }
0x4f: {  	_ =	shalt  }
0x50: {  	_ =	shalt  }
0x51: {  	_ =	shalt  }
0x52: {  	_ =	shalt  }
0x53: {  	_ =	shalt  }
0x54: {  	_ =	shalt  }
0x55: {  	_ =	shalt  }
0x56: {  	_ =	shalt  }
0x57: {  	_ =	shalt  }
0x58: {  	_ =	shalt  }
0x59: {  	_ =	shalt  }
0x5a: {  	_ =	shalt  }
0x5b: {  	_ =	shalt  }
0x5c: {  	_ =	shalt  }
0x5d: {  	_ =	shalt  }
0x5e: {  	_ =	shalt  }
0x5f: {  	_ =	shalt  }
0x60: {  	_ =	shalt  }
0x61: {  	_ =	shalt  }
0x62: {  	_ =	shalt  }
0x63: {  	_ =	shalt  }
0x64: {  	_ =	shalt  }
0x65: {  	_ =	shalt  }
0x66: {  	_ =	shalt  }
0x67: {  	_ =	shalt  }
0x68: {  	_ =	shalt  }
0x69: {  	_ =	shalt  }
0x6a: {  	_ =	shalt  }
0x6b: {  	_ =	shalt  }
0x6c: {  	_ =	shalt  }
0x6d: {  	_ =	shalt  }
0x6e: {  	_ =	shalt  }
0x6f: {  	_ =	shalt  }
0x70: {  	_ =	shalt  }
0x71: {  	_ =	shalt  }
0x72: {  	_ =	shalt  }
0x73: {  	_ =	shalt  }
0x74: {  	_ =	shalt  }
0x75: {  	_ =	shalt  }
0x76: {  	_ =	shalt  }
0x77: {  	_ =	shalt  }
0x78: {  	_ =	shalt  }
0x79: {  	_ =	shalt  }
0x7a: {  	_ =	shalt  }
0x7b: {  	_ =	shalt  }
0x7c: {  	_ =	shalt  }
0x7d: {  	_ =	shalt  }
0x7e: {  	_ =	shalt  }
0x7f: {  	_ =	shalt  }
0x80: {  	_ =	shalt  }
0x81: {  	_ =	shalt  }
0x82: {  	_ =	shalt  }
0x83: {  	_ =	shalt  }
0x84: {  	_ =	shalt  }
0x85: {  	_ =	shalt  }
0x86: {  	_ =	shalt  }
0x87: {  	_ =	shalt  }
.Lfunc_end0:
.L_simem_size_0:
called_computation_lowered:
.L_overlay_start_0:
0x88: {  	s2 =	sld [smem:$0x3FD9]  }
0x89: {  	s3 =	sld [smem:$0x3FFE];
	_ =	sdelay $0x1  }
0x8a: {  	s1 =	srdreg.scid  }
0x8b: {  	s0 =	sand.u32 $0x1, s1  }
0x8c: {  	s16 =	sshll.u32 s0, $0xA;
	s2 =	sadd.s32 s3, s2  }
0x8d: {  	s2 =	sadd.s32 s2, s16  }
0x8e: {  	[smem:$0x3FB6] =	sst s2  }
0x8f: {  	_ = 	snop  }
0x90: {  	(tm) =	ssettm $0x1  }
0x91: {  	s17 =	sld [smem:$0x3FFB];
	_ =	sdelay $0x3  }
0x92: {  	_ =	strace s17  }
0x93: {  	s2 =	sld [smem:$0x3FFC];
	_ =	sdelay $0x3  }
0x94: {  	_ =	strace s2  }
0x95: {  	s2 =	sld [smem:$0x3FFD];
	_ =	sdelay $0x3  }
0x96: {  	_ =	strace s2  }
0x97: {  	_ =	strace $0x8FFFFFFF  }
0x98: {  	s18 =	sld [smem:$0x3FDB];
	_ =	sdelay $0x1  }
0x99: {  	s19 =	simm.s32 $_scs_section_size  }
0x9a: {  	s4 =	simm.s32 $_size__tile_overlayer_lowered;
	s5 =	simm.s32 $_tile_overlayer_lowered  }
0x9b: {  	s22 =	simm.s32 $0x1BFF;
	s21 =	sshll.u32 s5, $0x1;
	s2 =	sadd.s32 s19, s18  }
0x9c: {  	s6 =	simm.s32 $0x0;
	s20 =	sshll.u32 s4, $0x1;
	s4 =	sadd.s32 s21, s2  }
0x9d: {  	[timem:s6], [sflag:s22] =	dma.local [hbm:s4], s20  }
0x9e: {  	_ =	swait.ge [sflag:s22], s20  }
0x9f: {  	s3 =	ssub.s32 $0x0, s20;
	[sflag:s22] =	ssyncset.done $0x0  }
0xa0: {  	[sflag:s22] =	ssyncadd.s32 s3;
	_ =	sdelay $0x1  }
0xa1: {  	s23 =	simm.s32 $0x1B8B  }
0xa2: {  	_ =	swait.ge [sflag:s23], $0x1  }
0xa3: {  	[sflag:s23] =	ssyncset.done $0x0  }
0xa4: {  	s25 =	simm.s32 $0x1B8E;
	s24 =	sld [smem:$0x3FFE];
	[sflag:s23] =	ssyncadd.s32 $0xFFFFFFFF  }
0xa5: {  	s26 =	simm.s32 $execute0_lowered;
	[smem:$0x3FD2] =	sst s25  }
0xa6: {  	s4 =	sshll.u32 s26, $0x1;
	_ =	strace $0x80000046;
	[dreg:$0x1] =	wrdreg $0xFFFFFFFF  }
0xa7: {  	s28 =	simm.s32 $_size_execute0_lowered;
	s2 =	sadd.s32 s2, s4;
	[dreg:$0x0] =	wrdreg $0x0  }
0xa8: {  	s4 =	sshll.u32 s28, $0x1;
	[dreg:$0x2] =	wrdreg s2  }
0xa9: {  	[dreg:$0x3] =	wrdreg s4  }
0xaa: {  	[dreg:$0x4] =	wrdreg $0xC0  }
0xab: {  	_ =	task [dreg:s6], $0x5FFFF  }
0xac: {  	[dreg:$0x1] =	wrdreg $0xFFFFFFFF  }
0xad: {  	[dreg:$0x0] =	wrdreg $0x60  }
0xae: {  	[dreg:$0x2] =	wrdreg s24  }
0xaf: {  	[dreg:$0x3] =	wrdreg $0x9  }
0xb0: {  	_ =	task.clear_ibuf [dreg:s6], $0x4FFFF;
	_ =	strace $0x90000046  }
0xb1: {  	s29 =	simm.s32 $0x9;
	_ =	strace $0x80000048  }
0xb2: {  	_ =	swait.ge [sflag:s29], $0x1  }
0xb3: {  	[sflag:s29] =	ssyncadd.s32 $0xFFFFFFFF  }
0xb4: {  	_ =	strace $0x90000048  }
0xb5: {  	_ =	sfence  }
0xb6: {  	s30 =	sld [smem:$0x0];
	_ =	sdelay $0x2  }
0xb7: {  	s31 =	sshll.u32 s1, $0xD;
	s1 =	sshrl.u32 s1, $0x2  }
0xb8: {  	s3 =	sand.u32 $0x4000, s31;
	s1 =	sadd.s32 s1, s30  }
0xb9: {  	s0 =	sor.u32 s3, s0;
	s1 =	sshll.u32 s1, $0x11  }
0xba: {  	s0 =	sor.u32 s1, s0  }
0xbb: {  	s0 =	sadd.s32 $0x8F2B, s0  }
0xbc: {  	[sflag:s0] =	ssyncadd.remote.s32 $0x1  }
0xbd: {  	_ =	sfence.sel $0xFFFF  }
0xbe: {  	[dreg:$0x0] =	wrdreg $0xFFFFFFFF;
	(pc) =	sbr.abs _section_cstart, $3  }
0xbf: {  	[dreg:$0x1] =	wrdreg $0xFFFFFFFF  }
0xc0: {  	_ =	task.clear_ibuf [dreg:s6], $0x2FFFF;
	_ =	strace $0x9FFFFFFF  }
0xc1: {  	(tm) =	ssettm $0x7FFFFFFF  }
tec
execute0_lowered:
.L_overlay_start_1:
0x0: {  	(tag) =	ssettag $0x1  }
0x1: {  	s0 =	srdreg.scid  }
0x2: {  	s4 =	sand.u32 $0x1, s0;
	s0 =	stileid.u32  }
0x3: {  	s2 =	sshll.u32 s0, $0x1;
	s3 =	ssub.s32 $0x0, s4  }
0x4: {  	p0 =	sne.s32 s2, s3  }
.Ltmp0:
0x5: {  	_ = 	snop;
	(pc) =	sbr.rel @p0 .LBB2_9-.Ltmp0, $3  }
0x6: {  	_ =	sdelay $0x1  }
0x7: {  	s7 =	rddreg [dreg:$0x0]  }
0x8: {  	s1 =	rddreg [dreg:$0x1];
	_ =	strace $0x80000047  }
0x9: {  	s2 =	sadd.s32 $0x3800, s7;
	s3 =	sadd.s32 $0x3A00, s7;
	s8 =	ssub.s32 $0x2, s4  }
0xa: {  	v0 =	vlaneseq.u32;
	s4 =	sadd.s32 $0x3C00, s7;
	s5 =	sadd.s32 $0x4200, s7;
	s6 =	sadd.s32 $0x4400, s7  }
0xb: {  	s7 =	sadd.s32 $0x4000, s7;
	v1 =	vimm.s32 $0x0;
	v2 =	vimm.s32 $0x1;
	s10 =	simm.s32 $0x1;
	v4 =	vimm.s32 $0x8;
	s11 =	simm.s32 $0x800  }
0xc: {  	s12 =	simm.s32 $0x3400;
	s13 =	simm.s32 $0x3480;
	v6 =	vimm.s32 $0x9;
	v7 =	vimm.s32 $0xA;
	v8 =	vimm.s32 $0xB;
	s14 =	simm.s32 $0x3500  }
0xd: {  	v9 =	vimm.s32 $0xC;
	v10 =	vimm.s32 $0xD;
	s15 =	simm.s32 $0x1000;
	s16 =	simm.s32 $0x2400;
	s9 =	sshrl.u32 s8, $0x1;
	v14 =	vmul.u32 $0x80, v0  }
0xe: {  	v11 =	vimm.s32 $0xE;
	v12 =	vimm.s32 $0xF;
	s17 =	simm.s32 $0x2C00;
	s18 =	simm.s32 $0x3580;
	v3 =	vadd.s32 $0x8, v0;
	s8 =	ssub.s32 s8, s9  }
0xf: {  	s19 =	simm.s32 $0x0;
	s9 =	simm.s32 $0x0;
	s8 =	smax.u32 s8, $0x1;
	v5 =	vor.u32 $0x1, v14;
	v13 =	vor.u32 $0x801, v14;
	v14 =	vor.u32 $0x1001, v14  }
.LBB2_2:
0x10: {  	[tilespmem:s9], [sflag:$0x1] =	stream.linear.gather [hbm4b:s2+s9], $0x800, $0x38;
	[tilespmem:$0x3600] =	vst v63  }
0x11: {  	_ =	swait.ge [sflag:s10], $0x800  }
0x12: {  	[sflag:s10] =	ssyncset.done $0x0  }
0x13: {  	[sflag:s10] =	ssyncadd.s32 $0xFFFFF800  }
0x14: {  	[tilespmem:s11], [sflag:$0x1] =	stream.linear.gather [hbm4b:s3+s9], $0x800, $0x38;
	[tilespmem:$0x3600] =	vst v63  }
0x15: {  	_ =	swait.ge [sflag:s10], $0x800  }
0x16: {  	[sflag:s10] =	ssyncset.done $0x0  }
0x17: {  	[sflag:s10] =	ssyncadd.s32 $0xFFFFF800  }
0x18: {  	s20 =	simm.s32 $0x0;
	[tilespmem:$0x3400] =	vst v1  }
.LBB2_3:
0x19: {  	p0 =	sne.s32 s20, $0x4FC0  }
.Ltmp1:
0x1a: {  	_ = 	snop;
	(pc) =	sbr.rel @p0 .LBB2_3-.Ltmp1, $3  }
0x1b: {  	_ =	sdelay $0x1  }
0x1c: {  	s21 =	sshra.s32 s20, $0x2  }
0x1d: {  	s20 =	sadd.s32 $0x40, s20;
	[tilespmem:s21+$0x1000] =	vst v1  }
0x1e: {  	s21 =	simm.s32 $0x0;
	s20 =	simm.s32 $0x40  }
.LBB2_5:
0x1f: {  	p0 =	sne.s32 s20, $0x1FC0;
	v15 =	vld [tilespmem:s21+$0x0];
	_ =	sdelay $0x7  }
0x20: {  	[tilespmem:v15+s12+$0x0] =	vst.idx.add.s32.msk $0xffff, v2  }
0x21: {  	v15 =	vld [tilespmem:s21+$0x800];
	_ =	sdelay $0x3  }
.Ltmp2:
0x22: {  	(pc) =	sbr.rel @p0 .LBB2_5-.Ltmp2, $2  }
0x23: {  	_ =	sdelay $0x2  }
0x24: {  	s21 =	sshra.s32 s20, $0x2;
	s20 =	sadd.s32 $0x40, s20;
	[tilespmem:v15+s12+$0x0] =	vst.idx.add.s32.msk $0xffff, v2  }
0x25: {  	v15 =	vld [tilespmem:s21+$0x0];
	_ =	sdelay $0x7  }
0x26: {  	[tilespmem:v15+s12+$0x0] =	vst.idx.add.s32.msk $0xffff, v2  }
0x27: {  	v15 =	vld [tilespmem:s21+$0x800];
	_ =	sdelay $0x7  }
0x28: {  	[tilespmem:v15+s12+$0x0] =	vst.idx.add.s32.msk $0xffff, v2  }
0x29: {  	v15 =	vld [tilespmem:$0x3400];
	_ =	sdelay $0x4  }
0x2a: {  	v15 =	vadd.s32 $0x7F, v15  }
0x2b: {  	v15 =	vand.u32 $0xFFFFFF80, v15  }
0x2c: {  	(xrf0) =	vadd.scan.msk.s32 $0xffff, v15;
	_ =	sdelay $0x5  }
0x2d: {  	v16, _, _ =	vpop (xrf0)  }
0x2e: {  	[tilespmem:v3+s13+$0x0] =	vst.idx.msk $0xffff, v16;
	v15 =	vsub.s32 v16, v15  }
0x2f: {  	[tilespmem:$0x3500] =	vst v15  }
0x30: {  	v15 =	vld.idx.msk [tilespmem:v4+s13+$0x0], $0xffff  }
0x31: {  	v30 =	vld.idx.msk [tilespmem:v6+s13+$0x0], $0xffff  }
0x32: {  	v17 =	vld.idx.msk [tilespmem:v7+s13+$0x0], $0xffff  }
0x33: {  	v18 =	vld.idx.msk [tilespmem:v8+s13+$0x0], $0xffff  }
0x34: {  	v19 =	vld.idx.msk [tilespmem:v9+s13+$0x0], $0xffff  }
0x35: {  	v20 =	vld.idx.msk [tilespmem:v10+s13+$0x0], $0xffff  }
0x36: {  	vm0 =	vlt.s32 v15, v5;
	vm1 =	vlt.s32 v30, v5;
	v15 =	vld.idx.msk [tilespmem:v11+s13+$0x0], $0xffff  }
0x37: {  	v32 =	vld.idx.msk [tilespmem:v12+s13+$0x0], $0xffff;
	vm6 =	vlt.s32 v17, v5;
	v31 =	vsel vm0, $0x1, v1;
	v21 =	vsel vm1, $0x1, v1  }
0x38: {  	vm7 =	vlt.s32 v18, v5;
	v33 =	vsel vm6, $0x1, v1;
	v16 =	vadd.s32 v31, v21  }
0x39: {  	vm8 =	vlt.s32 v19, v5;
	v18 =	vsel vm7, $0x1, v1;
	v16 =	vadd.s32 v33, v16  }
0x3a: {  	vm9 =	vlt.s32 v20, v5;
	v34 =	vsel vm8, $0x1, v1;
	v16 =	vadd.s32 v18, v16  }
0x3b: {  	v35 =	vsel vm9, $0x1, v1;
	v16 =	vadd.s32 v34, v16;
	vm10 =	vlt.s32 v15, v5  }
0x3c: {  	vm11 =	vlt.s32 v32, v5;
	v15 =	vadd.s32 v35, v16;
	v36 =	vsel vm10, $0x1, v1  }
0x3d: {  	v37 =	vsel vm11, $0x1, v1;
	v15 =	vadd.s32 v36, v15  }
0x3e: {  	v15 =	vadd.s32 v37, v15  }
0x3f: {  	v15 =	vmin.u32 v15, $0x7  }
0x40: {  	[tilespmem:$0x3580] =	vst v15  }
0x41: {  	v15 =	vld.idx.msk [tilespmem:v4+s13+$0x0], $0xffff  }
0x42: {  	v38 =	vld.idx.msk [tilespmem:v6+s13+$0x0], $0xffff  }
0x43: {  	v39 =	vld.idx.msk [tilespmem:v7+s13+$0x0], $0xffff  }
0x44: {  	v40 =	vld.idx.msk [tilespmem:v8+s13+$0x0], $0xffff  }
0x45: {  	v41 =	vld.idx.msk [tilespmem:v9+s13+$0x0], $0xffff  }
0x46: {  	v42 =	vld.idx.msk [tilespmem:v10+s13+$0x0], $0xffff  }
0x47: {  	vm12 =	vlt.s32 v15, v13;
	vm13 =	vlt.s32 v38, v13;
	v15 =	vld.idx.msk [tilespmem:v11+s13+$0x0], $0xffff  }
0x48: {  	v45 =	vld.idx.msk [tilespmem:v12+s13+$0x0], $0xffff;
	vm14 =	vlt.s32 v39, v13;
	v43 =	vsel vm12, $0x1, v1;
	v44 =	vsel vm13, $0x1, v1  }
0x49: {  	vm15 =	vlt.s32 v40, v13;
	v46 =	vsel vm14, $0x1, v1;
	v16 =	vadd.s32 v43, v44  }
0x4a: {  	vm4 =	vlt.s32 v41, v13;
	v18 =	vsel vm15, $0x1, v1;
	v16 =	vadd.s32 v46, v16  }
0x4b: {  	vm5 =	vlt.s32 v42, v13;
	v47 =	vsel vm4, $0x1, v1;
	v16 =	vadd.s32 v18, v16  }
0x4c: {  	v48 =	vsel vm5, $0x1, v1;
	v16 =	vadd.s32 v47, v16;
	vm6 =	vlt.s32 v15, v13  }
0x4d: {  	vm7 =	vlt.s32 v45, v13;
	v15 =	vadd.s32 v48, v16;
	v49 =	vsel vm6, $0x1, v1  }
0x4e: {  	v50 =	vsel vm7, $0x1, v1;
	v15 =	vadd.s32 v49, v15  }
0x4f: {  	v15 =	vadd.s32 v50, v15  }
0x50: {  	v15 =	vmin.u32 v15, $0x7  }
0x51: {  	[tilespmem:$0x3590] =	vst v15  }
0x52: {  	v15 =	vld.idx.msk [tilespmem:v4+s13+$0x0], $0xffff  }
0x53: {  	v51 =	vld.idx.msk [tilespmem:v6+s13+$0x0], $0xffff  }
0x54: {  	v52 =	vld.idx.msk [tilespmem:v7+s13+$0x0], $0xffff  }
0x55: {  	v53 =	vld.idx.msk [tilespmem:v8+s13+$0x0], $0xffff  }
0x56: {  	v54 =	vld.idx.msk [tilespmem:v9+s13+$0x0], $0xffff  }
0x57: {  	v55 =	vld.idx.msk [tilespmem:v10+s13+$0x0], $0xffff  }
0x58: {  	vm8 =	vlt.s32 v15, v14;
	vm9 =	vlt.s32 v51, v14;
	v15 =	vld.idx.msk [tilespmem:v11+s13+$0x0], $0xffff  }
0x59: {  	v58 =	vld.idx.msk [tilespmem:v12+s13+$0x0], $0xffff;
	vm10 =	vlt.s32 v52, v14;
	v56 =	vsel vm8, $0x1, v1;
	v57 =	vsel vm9, $0x1, v1  }
0x5a: {  	vm11 =	vlt.s32 v53, v14;
	v59 =	vsel vm10, $0x1, v1;
	v16 =	vadd.s32 v56, v57  }
0x5b: {  	vm12 =	vlt.s32 v54, v14;
	v18 =	vsel vm11, $0x1, v1;
	v16 =	vadd.s32 v59, v16  }
0x5c: {  	vm13 =	vlt.s32 v55, v14;
	v60 =	vsel vm12, $0x1, v1;
	v16 =	vadd.s32 v18, v16  }
0x5d: {  	v61 =	vsel vm13, $0x1, v1;
	v16 =	vadd.s32 v60, v16;
	vm14 =	vlt.s32 v15, v14  }
0x5e: {  	vm15 =	vlt.s32 v58, v14;
	v15 =	vadd.s32 v61, v16;
	v62 =	vsel vm14, $0x1, v1  }
0x5f: {  	v63 =	vsel vm15, $0x1, v1;
	v15 =	vadd.s32 v62, v15  }
0x60: {  	v15 =	vadd.s32 v63, v15  }
0x61: {  	s20 =	simm.s32 $0x0;
	s22 =	simm.s32 $0x800;
	v15 =	vmin.u32 v15, $0x7  }
0x62: {  	s23 =	simm.s32 $0x2C00;
	s24 =	simm.s32 $0x0;
	s21 =	simm.s32 $0x2400;
	[tilespmem:$0x35A0] =	vst v15  }
.LBB2_7:
0x63: {  	v15 =	vld [tilespmem:s20+$0x0];
	_ =	sdelay $0x4  }
0x64: {  	vm2 =	veq.s32 v15, $0x0  }
0x65: {  	vm3 =	veq.s32 v15, $0x1;
	v16 =	vsel vm2, $0x1, v1  }
0x66: {  	v20 =	vsel vm3, $0x1, v1;
	(xrf0) =	vadd.scan.msk.s32 $0xffff, v16  }
0x67: {  	vm4 =	veq.s32 v15, $0x2;
	(xrf0) =	vadd.scan.msk.s32 $0xffff, v20  }
0x68: {  	vm5 =	veq.s32 v15, $0x3;
	v21 =	vsel vm4, $0x1, v1  }
0x69: {  	vm6 =	veq.s32 v15, $0x4;
	v22 =	vsel vm5, $0x1, v1;
	(xrf0) =	vadd.scan.msk.s32 $0xffff, v21  }
0x6a: {  	vm0 =	veq.s32 v15, $0x5;
	v23 =	vsel vm6, $0x1, v1;
	(xrf0) =	vadd.scan.msk.s32 $0xffff, v22  }
0x6b: {  	vm1 =	veq.s32 v15, $0x6;
	v24 =	vsel vm0, $0x1, v1;
	v17 =	vld.idx.msk [tilespmem:v15+s14+$0x0], $0xffff;
	(xrf0) =	vadd.scan.msk.s32 $0xffff, v23  }
0x6c: {  	vm7 =	veq.s32 v15, $0x7;
	v25 =	vsel vm1, $0x1, v1;
	v18, _, _ =	vpop (xrf0);
	(xrf0) =	vadd.scan.msk.s32 $0xffff, v24  }
0x6d: {  	v26 =	vsel vm7, $0x1, v1;
	v19, _, _ =	vpop (xrf0);
	(xrf0) =	vadd.scan.msk.s32 $0xffff, v25  }
0x6e: {  	v19 =	vadd.s32 $0xFFFFFFFF, v19;
	(xrf0) =	vadd.scan.msk.s32 $0xffff, v26  }
0x6f: {  	v27 =	vadd.s32 $0xFFFFFFFF, v18;
	v29, _, _ =	vpop (xrf0);
	v28 =	vnsel vm3, $0x0, v19  }
0x70: {  	v16 =	vnsel vm2, $0x0, v27;
	v19 =	vadd.s32 $0xFFFFFFFF, v29;
	v20, _, _ =	vpop (xrf0);
	v17 =	vadd.s32 v17, v28  }
0x71: {  	v30 =	vnsel vm4, $0x0, v19;
	v31 =	vadd.s32 $0xFFFFFFFF, v20;
	v32, _, _ =	vpop (xrf0);
	v16 =	vadd.s32 v16, v17  }
0x72: {  	v33 =	vnsel vm5, $0x0, v31;
	v34 =	vadd.s32 $0xFFFFFFFF, v32;
	v35, _, _ =	vpop (xrf0);
	v16 =	vadd.s32 v30, v16  }
0x73: {  	v36 =	vnsel vm6, $0x0, v34;
	v37 =	vadd.s32 $0xFFFFFFFF, v35;
	v38, _, _ =	vpop (xrf0);
	v16 =	vadd.s32 v33, v16  }
0x74: {  	v39 =	vnsel vm0, $0x0, v37;
	v40 =	vadd.s32 $0xFFFFFFFF, v38;
	v41, _, _ =	vpop (xrf0);
	v16 =	vadd.s32 v36, v16  }
0x75: {  	v42 =	vnsel vm1, $0x0, v40;
	v43 =	vadd.s32 $0xFFFFFFFF, v41;
	v16 =	vadd.s32 v39, v16  }
0x76: {  	v44 =	vnsel vm7, $0x0, v43;
	v16 =	vadd.s32 v42, v16  }
0x77: {  	v16 =	vadd.s32 v44, v16;
	_ =	sdelay $0x3  }
0x78: {  	v45 =	vor.u32 s24, v0  }
0x79: {  	[tilespmem:v16+s15+$0x0] =	vst.idx.msk $0xffff, v45  }
0x7a: {  	[tilespmem:s21+$0x0] =	vst v16  }
0x7b: {  	[tilespmem:v15+s14+$0x0] =	vst.idx.add.s32.msk $0xffff, v2  }
0x7c: {  	v15 =	vld [tilespmem:s22+$0x0];
	_ =	sdelay $0x4  }
0x7d: {  	vm3 =	veq.s32 v15, $0x0  }
0x7e: {  	vm9 =	veq.s32 v15, $0x1;
	v46 =	vsel vm3, $0x1, v1  }
0x7f: {  	v47 =	vsel vm9, $0x1, v1;
	(xrf0) =	vadd.scan.msk.s32 $0xffff, v46  }
0x80: {  	vm10 =	veq.s32 v15, $0x2;
	(xrf0) =	vadd.scan.msk.s32 $0xffff, v47  }
0x81: {  	vm11 =	veq.s32 v15, $0x3;
	v48 =	vsel vm10, $0x1, v1  }
0x82: {  	vm12 =	veq.s32 v15, $0x4;
	v49 =	vsel vm11, $0x1, v1;
	(xrf0) =	vadd.scan.msk.s32 $0xffff, v48  }
0x83: {  	vm13 =	veq.s32 v15, $0x5;
	v50 =	vsel vm12, $0x1, v1;
	(xrf0) =	vadd.scan.msk.s32 $0xffff, v49  }
0x84: {  	vm14 =	veq.s32 v15, $0x6;
	v52 =	vsel vm13, $0x1, v1;
	v51 =	vld.idx.msk [tilespmem:v15+s14+$0x0], $0xffff;
	(xrf0) =	vadd.scan.msk.s32 $0xffff, v50  }
0x85: {  	vm15 =	veq.s32 v15, $0x7;
	v54 =	vsel vm14, $0x1, v1;
	(xrf0) =	vadd.scan.msk.s32 $0xffff, v52;
	v53, _, _ =	vpop (xrf0)  }
0x86: {  	v56 =	vsel vm15, $0x1, v1;
	(xrf0) =	vadd.scan.msk.s32 $0xffff, v54;
	v55, _, _ =	vpop (xrf0)  }
0x87: {  	(xrf0) =	vadd.scan.msk.s32 $0xffff, v56;
	v20 =	vadd.s32 $0xFFFFFFFF, v55  }
0x88: {  	v19 =	vadd.s32 $0xFFFFFFFF, v53;
	v57, _, _ =	vpop (xrf0);
	v20 =	vnsel vm9, $0x0, v20  }
0x89: {  	v19 =	vnsel vm3, $0x0, v19;
	v21, _, _ =	vpop (xrf0);
	v16 =	vadd.s32 $0xFFFFFFFF, v57;
	v18 =	vadd.s32 v51, v20  }
0x8a: {  	v58, _, _ =	vpop (xrf0);
	v16 =	vnsel vm10, $0x0, v16;
	v21 =	vadd.s32 $0xFFFFFFFF, v21;
	v18 =	vadd.s32 v19, v18  }
0x8b: {  	v59, _, _ =	vpop (xrf0);
	v21 =	vnsel vm11, $0x0, v21;
	v20 =	vadd.s32 $0xFFFFFFFF, v58;
	v16 =	vadd.s32 v16, v18  }
0x8c: {  	v60, _, _ =	vpop (xrf0);
	v20 =	vnsel vm12, $0x0, v20;
	v19 =	vadd.s32 $0xFFFFFFFF, v59;
	v16 =	vadd.s32 v21, v16  }
0x8d: {  	v19 =	vnsel vm13, $0x0, v19;
	v18 =	vadd.s32 $0xFFFFFFFF, v60;
	v61, _, _ =	vpop (xrf0);
	v16 =	vadd.s32 v20, v16  }
0x8e: {  	v18 =	vnsel vm14, $0x0, v18;
	v62 =	vadd.s32 $0xFFFFFFFF, v61;
	v16 =	vadd.s32 v19, v16  }
0x8f: {  	v63 =	vnsel vm15, $0x0, v62;
	v16 =	vadd.s32 v18, v16  }
0x90: {  	v16 =	vadd.s32 v63, v16;
	_ =	sdelay $0x1  }
0x91: {  	p0 =	sne.s32 s24, $0x7F0  }
.Ltmp3:
0x92: {  	_ = 	snop;
	(pc) =	sbr.rel @p0 .LBB2_7-.Ltmp3, $4  }
0x93: {  	_ = 	snop  }
0x94: {  	[tilespmem:v16+s15+$0x0] =	vst.idx.msk $0xffff, v45  }
0x95: {  	s20 =	sadd.s32 $0x10, s20;
	s24 =	sadd.s32 $0x10, s24;
	[tilespmem:s23+$0x0] =	vst v16  }
0x96: {  	s21 =	sadd.s32 $0x10, s21;
	s22 =	sadd.s32 $0x10, s22;
	s23 =	sadd.s32 $0x10, s23;
	[tilespmem:v15+s14+$0x0] =	vst.idx.add.s32.msk $0xffff, v2  }
0x97: {  	[hbm4b:s4+s9] =	stream.linear.scatter [tilespmem:s15], [sflag:$0x1], $0x1400, $0x38;
	[tilespmem:$0x3600] =	vst v63  }
0x98: {  	_ =	swait.ge [sflag:s10], $0x1400  }
0x99: {  	[sflag:s10] =	ssyncset.done $0x0  }
0x9a: {  	[sflag:s10] =	ssyncadd.s32 $0xFFFFEC00  }
0x9b: {  	[hbm4b:s5+s9] =	stream.linear.scatter [tilespmem:s16], [sflag:$0x1], $0x800, $0x38;
	[tilespmem:$0x3600] =	vst v63  }
0x9c: {  	_ =	swait.ge [sflag:s10], $0x800  }
0x9d: {  	[sflag:s10] =	ssyncset.done $0x0  }
0x9e: {  	[sflag:s10] =	ssyncadd.s32 $0xFFFFF800  }
0x9f: {  	[hbm4b:s6+s9] =	stream.linear.scatter [tilespmem:s17], [sflag:$0x1], $0x800, $0x38;
	[tilespmem:$0x3600] =	vst v63  }
0xa0: {  	s19 =	sadd.s32 $0x1, s19;
	_ =	swait.ge [sflag:s10], $0x800  }
0xa1: {  	p0 =	sne.s32 s19, s8;
	[sflag:s10] =	ssyncset.done $0x0  }
.Ltmp4:
0xa2: {  	[sflag:s10] =	ssyncadd.s32 $0xFFFFF800;
	(pc) =	sbr.rel @p0 .LBB2_2-.Ltmp4, $4  }
0xa3: {  	[hbm4b:s7+s9] =	stream.linear.scatter [tilespmem:s18], [sflag:$0x1], $0x80, $0x38;
	[tilespmem:$0x3600] =	vst v63  }
0xa4: {  	_ =	swait.ge [sflag:s10], $0x80  }
0xa5: {  	[sflag:s10] =	ssyncset.done $0x0  }
0xa6: {  	[sflag:s10] =	ssyncadd.s32 $0xFFFFFF80  }
.LBB2_9:
0xa7: {  	_ =	sfence.sel $0x180000  }
0xa8: {  	[bflag:$0x0] =	sbarrier.arrive $0xFFFF  }
0xa9: {  	p0 =	sne.s32 s0, $0x0;
	_ =	strace $0x90000047  }
0xaa: {  	s0 =	sadd.s32 @!p0 $0x100000, s1;
	[bflag:$0x2] =	sbarrier.arrive $0xFFFF  }
0xab: {  	[sflag:s0] =	ssyncadd.tile.s32 @!p0 $0x1;
	_ =	shalt  }
.Lfunc_end2:
_tile_overlayer_lowered:
.L_overlay_start_2:
0xac: {  	(tag) =	ssettag $0x2  }
0xad: {  	s0 =	rddreg [dreg:$0x0];
	s2 =	stileid.u32  }
0xae: {  	s1 =	rddreg [dreg:$0x1];
	p0 =	sne.s32 s2, $0x0  }
0xaf: {  	s3 =	rddreg [dreg:$0x2];
	[bflag:$0x3] =	sbarrier.arrive $0xFFFF;
	s2 =	simm.s32 @!p0 $0x1C01  }
0xb0: {  	[timem:s3], [sflag:s2] =	dma.local @!p0 [hbm:s0], s1  }
0xb1: {  	s0 =	simm.s32 @!p0 $0x1  }
0xb2: {  	_ =	swait.ge @!p0 [sflag:s0], s1  }
0xb3: {  	s1 =	ssub.s32 @!p0 $0x0, s1;
	[sflag:s0] =	ssyncset.done @!p0 $0x0  }
0xb4: {  	[sflag:s0] =	ssyncadd.s32 @!p0 s1  }
0xb5: {  	[bflag:$0x3] =	sbarrier.arrive $0xFFFF  }
0xb6: {  	_ =	shalt  }

// kernel: kernel.13.cloned.1.call-start
scs
__scs_entry_jumppad:
0x0: {  	(pc) =	sbr.rel $0x88, $3  }
0x1: {  	(tag) =	ssettag $0x0;
	lr =	simm.s32 $0x1  }
0x2: {  	[smem:$0x3F8F] =	sst lr;
	_ =	strace $0xD0000000  }
0x3: {  	_ = 	snop  }
0x4: {  	_ = 	snop  }
0x5: {  	_ = 	snop  }
0x6: {  	_ = 	snop  }
0x7: {  	_ = 	snop  }
__scs_overlays_trampoline_lowered:
0x8: {  	[smem:$0x3F9E] =	sst s0  }
0x9: {  	[smem:$0x3F9F] =	sst s1  }
0xa: {  	[smem:$0x3FA0] =	sst s2  }
0xb: {  	[smem:$0x3FA1] =	sst s3  }
0xc: {  	[smem:$0x3FA2] =	sst s4  }
0xd: {  	[smem:$0x3FA3] =	sst s5  }
0xe: {  	[smem:$0x3FA4] =	sst s6  }
0xf: {  	[smem:$0x3FA5] =	sst s7  }
0x10: {  	[smem:$0x3FA6] =	sst s8  }
0x11: {  	[smem:$0x3FA7] =	sst s9;
	s0 =	simm.s32 @!p0 $0x0  }
0x12: {  	s1 =	sld [smem:$0x3F8D];
	s0 =	simm.s32 @p0 $0x1  }
0x13: {  	[smem:$0x3FA8] =	sst s0;
	s0 =	simm.s32 @!p1 $0x0  }
0x14: {  	s2 =	sld [smem:$0x3F8C];
	s0 =	simm.s32 @p1 $0x1  }
0x15: {  	[smem:$0x3FA9] =	sst s0;
	s0 =	simm.s32 @!p2 $0x0  }
0x16: {  	s3 =	sld [smem:$0x3FDB];
	s0 =	simm.s32 @p2 $0x1  }
0x17: {  	s4 =	simm.s32 $0x1BF5;
	[smem:$0x3FAB] =	sst s0  }
0x18: {  	s0 =	sld [smem:$0x3F8E];
	_ =	swait.ge [sflag:s4], $0x0  }
0x19: {  	s7 =	sld [smem:$0x3F8F]  }
0x1a: {  	s8 =	sadd.s32 $0xFFFFE003, lr  }
0x1b: {  	s9 =	sadd.s32 $0xFFFFFEF7, lr;
	s5 =	simm.s32 $0xFFFFFFFF;
	p2 =	slt.u32 s8, $0xFFFFF086  }
0x1c: {  	p1 =	slt.u32 s9, $0xF7A;
	s5 =	simm.s32 @!p2 $0x0  }
0x1d: {  	s5 =	simm.s32 @p1 $0x1;
	p0 =	seq.s32 s7, s2  }
0x1e: {  	s7 =	smul.u32 @!p0 $0xF7A, s2;
	p2 =	seq.s32 @!p0 s5, $0x0  }
0x1f: {  	s9 =	smul.u32 $0xF7A, s1;
	s8 =	simm.s32 @!p0 $0x1BF5;
	p2 =	por !p2, p0  }
0x20: {  	[sflag:s8] =	ssyncset.s32 @!p0 $0xFFFFF086;
	s6 =	sadd.s32 @!p0 s3, s7;
	s7 =	simm.s32 @!p0 $0x108  }
0x21: {  	s3 =	sadd.s32 s3, s9;
	s6 =	sadd.s32 @!p0 $0x88, s6;
	s7 =	simm.s32 @p2 $0x1082  }
0x22: {  	[simem:s7], [sflag:s8] =	dma.local @!p0 [hbm:s6], $0xF7A  }
0x23: {  	s9 =	sor.u32 $0xD0000000, s2;
	s6 =	simm.s32 $0x108;
	_ =	swait.ge @!p0 [sflag:s8], $0x0  }
0x24: {  	s3 =	sadd.s32 $0x88, s3;
	s6 =	simm.s32 @!p1 $0x1082;
	[sflag:s4] =	ssyncset.s32 $0xFFFFF086  }
0x25: {  	[simem:s6], [sflag:s4] =	dma.local [hbm:s3], $0xF7A  }
0x26: {  	[smem:$0x3F8F] =	sst s1;
	(tag) =	ssettag s2;
	_ =	strace s9  }
0x27: {  	s1 =	sld [smem:$0x3F9F]  }
0x28: {  	s2 =	sld [smem:$0x3FA0]  }
0x29: {  	s4 =	sld [smem:$0x3FA2]  }
0x2a: {  	p0 =	seq.s32 s5, $0x0;
	s5 =	sld [smem:$0x3FA3]  }
0x2b: {  	s6 =	sld [smem:$0x3FA4]  }
0x2c: {  	s7 =	sld [smem:$0x3FA5]  }
0x2d: {  	s3 =	simm.s32 $0x108;
	s8 =	sld [smem:$0x3FA6]  }
0x2e: {  	s3 =	simm.s32 @!p0 $0x1082;
	s9 =	sld [smem:$0x3FA7]  }
0x2f: {  	lr =	sadd.s32 s0, s3;
	s0 =	sld [smem:$0x3F9E]  }
0x30: {  	s3 =	sld [smem:$0x3FA1]  }
0x31: {  	[smem:$0x3FAA] =	sst s10  }
0x32: {  	s10 =	sld [smem:$0x3FA8];
	_ =	sdelay $0x3  }
0x33: {  	p0 =	seq.s32 s10, $0x1;
	s10 =	sld [smem:$0x3FAA];
	_ =	sdelay $0x3  }
0x34: {  	[smem:$0x3FAA] =	sst s10  }
0x35: {  	s10 =	sld [smem:$0x3FA9];
	_ =	sdelay $0x3  }
0x36: {  	p1 =	seq.s32 s10, $0x1;
	s10 =	sld [smem:$0x3FAA];
	_ =	sdelay $0x3  }
0x37: {  	[smem:$0x3FAA] =	sst s10  }
0x38: {  	s10 =	sld [smem:$0x3FAB]  }
0x39: {  	_ = 	snop;
	(pc) =	sbr.ind lr, $3  }
0x3a: {  	_ = 	snop  }
0x3b: {  	_ = 	snop  }
0x3c: {  	p2 =	seq.s32 s10, $0x1;
	s10 =	sld [smem:$0x3FAA]  }
0x3d: {  	_ =	shalt  }
0x3e: {  	_ =	shalt  }
0x3f: {  	_ =	shalt  }
0x40: {  	_ =	shalt  }
0x41: {  	_ =	shalt  }
0x42: {  	_ =	shalt  }
0x43: {  	_ =	shalt  }
0x44: {  	_ =	shalt  }
0x45: {  	_ =	shalt  }
0x46: {  	_ =	shalt  }
0x47: {  	_ =	shalt  }
0x48: {  	_ =	shalt  }
0x49: {  	_ =	shalt  }
0x4a: {  	_ =	shalt  }
0x4b: {  	_ =	shalt  }
0x4c: {  	_ =	shalt  }
0x4d: {  	_ =	shalt  }
0x4e: {  	_ =	shalt  }
0x4f: {  	_ =	shalt  }
0x50: {  	_ =	shalt  }
0x51: {  	_ =	shalt  }
0x52: {  	_ =	shalt  }
0x53: {  	_ =	shalt  }
0x54: {  	_ =	shalt  }
0x55: {  	_ =	shalt  }
0x56: {  	_ =	shalt  }
0x57: {  	_ =	shalt  }
0x58: {  	_ =	shalt  }
0x59: {  	_ =	shalt  }
0x5a: {  	_ =	shalt  }
0x5b: {  	_ =	shalt  }
0x5c: {  	_ =	shalt  }
0x5d: {  	_ =	shalt  }
0x5e: {  	_ =	shalt  }
0x5f: {  	_ =	shalt  }
0x60: {  	_ =	shalt  }
0x61: {  	_ =	shalt  }
0x62: {  	_ =	shalt  }
0x63: {  	_ =	shalt  }
0x64: {  	_ =	shalt  }
0x65: {  	_ =	shalt  }
0x66: {  	_ =	shalt  }
0x67: {  	_ =	shalt  }
0x68: {  	_ =	shalt  }
0x69: {  	_ =	shalt  }
0x6a: {  	_ =	shalt  }
0x6b: {  	_ =	shalt  }
0x6c: {  	_ =	shalt  }
0x6d: {  	_ =	shalt  }
0x6e: {  	_ =	shalt  }
0x6f: {  	_ =	shalt  }
0x70: {  	_ =	shalt  }
0x71: {  	_ =	shalt  }
0x72: {  	_ =	shalt  }
0x73: {  	_ =	shalt  }
0x74: {  	_ =	shalt  }
0x75: {  	_ =	shalt  }
0x76: {  	_ =	shalt  }
0x77: {  	_ =	shalt  }
0x78: {  	_ =	shalt  }
0x79: {  	_ =	shalt  }
0x7a: {  	_ =	shalt  }
0x7b: {  	_ =	shalt  }
0x7c: {  	_ =	shalt  }
0x7d: {  	_ =	shalt  }
0x7e: {  	_ =	shalt  }
0x7f: {  	_ =	shalt  }
0x80: {  	_ =	shalt  }
0x81: {  	_ =	shalt  }
0x82: {  	_ =	shalt  }
0x83: {  	_ =	shalt  }
0x84: {  	_ =	shalt  }
0x85: {  	_ =	shalt  }
0x86: {  	_ =	shalt  }
0x87: {  	_ =	shalt  }
.Lfunc_end0:
.L_simem_size_0:
called_computation.1_lowered:
.L_overlay_start_0:
0x88: {  	s2 =	sld [smem:$0x3FD9]  }
0x89: {  	s3 =	sld [smem:$0x3FFE];
	_ =	sdelay $0x1  }
0x8a: {  	s1 =	srdreg.scid  }
0x8b: {  	s0 =	sand.u32 $0x1, s1  }
0x8c: {  	s17 =	sshll.u32 s0, $0xA;
	s2 =	sadd.s32 s3, s2  }
0x8d: {  	s2 =	sadd.s32 s2, s17  }
0x8e: {  	[smem:$0x3FB6] =	sst s2  }
0x8f: {  	_ = 	snop  }
0x90: {  	s2 =	sld [smem:$0x3FD0];
	(tm) =	ssettm $0x1  }
0x91: {  	s18 =	sld [smem:$0x3FFB];
	_ =	sdelay $0x3  }
0x92: {  	_ =	strace s18  }
0x93: {  	s3 =	sld [smem:$0x3FFC];
	_ =	sdelay $0x3  }
0x94: {  	_ =	strace s3  }
0x95: {  	s3 =	sld [smem:$0x3FFD];
	_ =	sdelay $0x3  }
0x96: {  	_ =	strace s3  }
0x97: {  	_ =	strace $0x8FFFFFFF  }
0x98: {  	s19 =	sld [smem:$0x3FDB];
	_ =	sdelay $0x1  }
0x99: {  	s4 =	simm.s32 $_scs_section_size  }
0x9a: {  	s5 =	simm.s32 $_size__tile_overlayer_lowered;
	s6 =	simm.s32 $_tile_overlayer_lowered  }
0x9b: {  	s22 =	simm.s32 $0x1BFF;
	s21 =	sshll.u32 s6, $0x1;
	s3 =	sadd.s32 s4, s19  }
0x9c: {  	s7 =	simm.s32 $0x0;
	s20 =	sshll.u32 s5, $0x1;
	s5 =	sadd.s32 s21, s3  }
0x9d: {  	[timem:s7], [sflag:s22] =	dma.local [hbm:s5], s20  }
0x9e: {  	_ =	swait.ge [sflag:s22], s20  }
0x9f: {  	s4 =	ssub.s32 $0x0, s20;
	[sflag:s22] =	ssyncset.done $0x0  }
0xa0: {  	[sflag:s22] =	ssyncadd.s32 s4;
	_ =	sdelay $0x1  }
0xa1: {  	s23 =	simm.s32 $0x1B8B  }
0xa2: {  	_ =	swait.ge [sflag:s23], $0x1  }
0xa3: {  	[sflag:s23] =	ssyncset.done $0x0  }
0xa4: {  	s25 =	simm.s32 $0x1B8E;
	s24 =	sld [smem:$0x3FFE];
	[sflag:s23] =	ssyncadd.s32 $0xFFFFFFFF  }
0xa5: {  	s26 =	simm.s32 $execute0_lowered;
	[smem:$0x3FD2] =	sst s25  }
0xa6: {  	s5 =	sshll.u32 s26, $0x1;
	_ =	strace $0x80000049;
	[dreg:$0x1] =	wrdreg $0xFFFFFFFF  }
0xa7: {  	s28 =	simm.s32 $_size_execute0_lowered;
	s3 =	sadd.s32 s3, s5;
	[dreg:$0x0] =	wrdreg $0x0  }
0xa8: {  	s5 =	sshll.u32 s28, $0x1;
	[dreg:$0x2] =	wrdreg s3  }
0xa9: {  	[dreg:$0x3] =	wrdreg s5  }
0xaa: {  	[dreg:$0x4] =	wrdreg $0xC0  }
0xab: {  	_ =	task [dreg:s7], $0x5FFFF  }
0xac: {  	[dreg:$0x1] =	wrdreg $0xFFFFFFFF  }
0xad: {  	[dreg:$0x0] =	wrdreg $0x60  }
0xae: {  	[dreg:$0x2] =	wrdreg s24  }
0xaf: {  	[dreg:$0x3] =	wrdreg s2  }
0xb0: {  	[dreg:$0x4] =	wrdreg $0x9  }
0xb1: {  	_ =	task.clear_ibuf [dreg:s7], $0x5FFFF;
	_ =	strace $0x90000049  }
0xb2: {  	s29 =	simm.s32 $0x9;
	_ =	strace $0x8000004B  }
0xb3: {  	_ =	swait.ge [sflag:s29], $0x1  }
0xb4: {  	[sflag:s29] =	ssyncadd.s32 $0xFFFFFFFF  }
0xb5: {  	_ =	strace $0x9000004B  }
0xb6: {  	_ =	sfence  }
0xb7: {  	s30 =	sld [smem:$0x0];
	_ =	sdelay $0x2  }
0xb8: {  	s31 =	sshll.u32 s1, $0xD;
	s1 =	sshrl.u32 s1, $0x2  }
0xb9: {  	s3 =	sand.u32 $0x4000, s31;
	s1 =	sadd.s32 s1, s30  }
0xba: {  	s0 =	sor.u32 s3, s0;
	s1 =	sshll.u32 s1, $0x11  }
0xbb: {  	s0 =	sor.u32 s1, s0  }
0xbc: {  	s0 =	sadd.s32 $0x8F2B, s0  }
0xbd: {  	[sflag:s0] =	ssyncadd.remote.s32 $0x1  }
0xbe: {  	_ =	sfence.sel $0xFFFF  }
0xbf: {  	[dreg:$0x0] =	wrdreg $0xFFFFFFFF;
	(pc) =	sbr.abs _section_cstart, $3  }
0xc0: {  	[dreg:$0x1] =	wrdreg $0xFFFFFFFF  }
0xc1: {  	_ =	task.clear_ibuf [dreg:s7], $0x2FFFF;
	_ =	strace $0x9FFFFFFF  }
0xc2: {  	(tm) =	ssettm $0x7FFFFFFF  }
0xc3: {  	_ =	shalt  }
tec
execute0_lowered:
.L_overlay_start_1:
0x0: {  	(tag) =	ssettag $0x1  }
0x1: {  	s1 =	srdreg.scid  }
0x2: {  	s0 =	stileid.u32;
	s5 =	rddreg [dreg:$0x0]  }
0x3: {  	s2 =	rddreg [dreg:$0x1];
	s9 =	simm.s32 $0x2;
	s10 =	simm.s32 $0x80  }
0x4: {  	s11 =	simm.s32 $0x880;
	s12 =	simm.s32 $0x1080;
	s13 =	simm.s32 $0x1880  }
0x5: {  	s14 =	simm.s32 $0x2080;
	s15 =	simm.s32 $0x2880;
	s16 =	simm.s32 $0x3080  }
0x6: {  	s17 =	simm.s32 $0x3880;
	s4 =	sand.u32 $0x1, s1;
	s29 =	smul.u32 $0x140, s0  }
0x7: {  	s18 =	simm.s32 $0x4080;
	s19 =	simm.s32 $0x4880;
	s3 =	smul.u32 $0xA0, s4  }
0x8: {  	s20 =	simm.s32 $0x5080;
	s21 =	simm.s32 $0x5880;
	s22 =	simm.s32 $0x1  }
0x9: {  	s23 =	simm.s32 $0x0;
	s1 =	rddreg [dreg:$0x2];
	s6 =	sadd.s32 s3, s29  }
0xa: {  	s4 =	ssub.s32 $0x2, s4;
	s3 =	simm.s32 $0x0;
	s6 =	sshrl.u32 s6, $0x3  }
0xb: {  	s30 =	sshrl.u32 s4, $0x1;
	[smem:$0x7FF] =	sst s3;
	s7 =	smul.u32 $0x300, s6  }
0xc: {  	v2 =	vlaneseq.u32;
	s31 =	ssub.s32 s4, s30;
	s4 =	sadd.s32 $0x100, s2;
	_ =	strace $0x8000004A  }
0xd: {  	vm0 =	vmmov $0xffff;
	v1 =	vshrl.u32 v2, $0x3;
	s8 =	sadd.s32 s6, s5;
	s6 =	smax.u32 s31, $0x1;
	s7 =	sadd.s32 s7, s5  }
0xe: {  	v0 =	vand.u32 $0x7, v2;
	v2 =	vor.u32 $0x8, v2;
	v1 =	vmul.u32 $0x8, v1;
	s8 =	sadd.s32 $0x3C00, s8;
	s5 =	sadd.s32 $0x200, s2;
	s7 =	sadd.s32 $0x4600, s7  }
.LBB2_1:
0xf: {  	s24 =	simm.s32 $0x0;
	s25 =	smov.u32 s7  }
.LBB2_2:
0x10: {  	s26 =	sadd.s32 s24, s8  }
0x11: {  	[tilespmem:s3], [sflag:$0x2] =	stream.linear.gather [hbm4b:s26+s3], $0x20, $0x38;
	[tilespmem:$0x6080] =	vst v63  }
0x12: {  	_ =	swait.ge [sflag:s9], $0x20  }
0x13: {  	[sflag:s9] =	ssyncset.done $0x0  }
0x14: {  	[sflag:s9] =	ssyncadd.s32 $0xFFFFFFE0  }
0x15: {  	v3 =	vld [tilespmem:$0x0];
	_ =	sdelay $0x4  }
0x16: {  	v4 =	vshrl.u32 v3, $0x3  }
0x17: {  	v4 =	vmul.u32 $0x30, v4  }
0x18: {  	v3 =	vand.u32 $0x7, v3  }
0x19: {  	v3 =	vor.u32 v3, v4  }
0x1a: {  	v4 =	vperm.xlane v3, v0;
	_ =	sdelay $0x1  }
0x1b: {  	v4 =	vadd.s32 v1, v4;
	_ =	sdelay $0x3  }
0x1c: {  	v3 =	vperm.xlane v3, v2  }
0x1d: {  	[tilespmem:s10], [sflag:$0x1] =	stream.indirect_vreg.gather [hbm4b:s2+s3], $0x80, v4, vm0, $0xb8;
	[tilespmem:$0x6080] =	vst v63  }
0x1e: {  	v3 =	vadd.s32 v1, v3  }
0x1f: {  	[tilespmem:s11], [sflag:$0x1] =	stream.indirect_vreg.gather [hbm4b:s4+s3], $0x80, v4, vm0, $0xb8;
	[tilespmem:$0x6080] =	vst v63  }
0x20: {  	_ = 	snop  }
0x21: {  	[tilespmem:s12], [sflag:$0x1] =	stream.indirect_vreg.gather [hbm4b:s5+s3], $0x80, v4, vm0, $0xb8;
	[tilespmem:$0x6080] =	vst v63  }
0x22: {  	_ = 	snop  }
0x23: {  	[tilespmem:s13], [sflag:$0x1] =	stream.indirect_vreg.gather [hbm4b:s2+s3], $0x80, v3, vm0, $0xb8;
	[tilespmem:$0x6080] =	vst v63  }
0x24: {  	_ = 	snop  }
0x25: {  	[tilespmem:s14], [sflag:$0x1] =	stream.indirect_vreg.gather [hbm4b:s4+s3], $0x80, v3, vm0, $0xb8;
	[tilespmem:$0x6080] =	vst v63  }
0x26: {  	_ = 	snop  }
0x27: {  	[tilespmem:s15], [sflag:$0x1] =	stream.indirect_vreg.gather [hbm4b:s5+s3], $0x80, v3, vm0, $0xb8;
	[tilespmem:$0x6080] =	vst v63  }
0x28: {  	v3 =	vld [tilespmem:$0x10];
	_ =	sdelay $0x4  }
0x29: {  	v63 =	vshrl.u32 v3, $0x3  }
0x2a: {  	v4 =	vmul.u32 $0x30, v63  }
0x2b: {  	v3 =	vand.u32 $0x7, v3  }
0x2c: {  	v3 =	vor.u32 v3, v4  }
0x2d: {  	v4 =	vperm.xlane v3, v0;
	_ =	sdelay $0x1  }
0x2e: {  	v4 =	vadd.s32 v1, v4;
	_ =	sdelay $0x3  }
0x2f: {  	v3 =	vperm.xlane v3, v2  }
0x30: {  	[tilespmem:s16], [sflag:$0x1] =	stream.indirect_vreg.gather [hbm4b:s2+s3], $0x80, v4, vm0, $0xb8;
	[tilespmem:$0x6080] =	vst v63  }
0x31: {  	v3 =	vadd.s32 v1, v3  }
0x32: {  	[tilespmem:s17], [sflag:$0x1] =	stream.indirect_vreg.gather [hbm4b:s4+s3], $0x80, v4, vm0, $0xb8;
	[tilespmem:$0x6080] =	vst v63  }
0x33: {  	_ = 	snop  }
0x34: {  	[tilespmem:s18], [sflag:$0x1] =	stream.indirect_vreg.gather [hbm4b:s5+s3], $0x80, v4, vm0, $0xb8;
	[tilespmem:$0x6080] =	vst v63  }
0x35: {  	_ = 	snop  }
0x36: {  	[tilespmem:s19], [sflag:$0x1] =	stream.indirect_vreg.gather [hbm4b:s2+s3], $0x80, v3, vm0, $0xb8;
	[tilespmem:$0x6080] =	vst v63  }
0x37: {  	_ = 	snop  }
0x38: {  	[tilespmem:s20], [sflag:$0x1] =	stream.indirect_vreg.gather [hbm4b:s4+s3], $0x80, v3, vm0, $0xb8;
	[tilespmem:$0x6080] =	vst v63  }
0x39: {  	_ = 	snop  }
0x3a: {  	[tilespmem:s21], [sflag:$0x1] =	stream.indirect_vreg.gather [hbm4b:s5+s3], $0x80, v3, vm0, $0xb8;
	[tilespmem:$0x6080] =	vst v63  }
0x3b: {  	_ =	swait.ge [sflag:s22], $0x6000  }
0x3c: {  	p0 =	sne.s32 s24, $0x10;
	[sflag:s22] =	ssyncset.done $0x0  }
.Ltmp0:
0x3d: {  	[sflag:s22] =	ssyncadd.s32 $0xFFFFA000;
	(pc) =	sbr.rel @p0 .LBB2_2-.Ltmp0, $4  }
0x3e: {  	[hbm4b:s25+s3] =	stream.linear.scatter [tilespmem:s10], [sflag:$0x2], $0x6000, $0x38;
	[tilespmem:$0x6080] =	vst v63  }
0x3f: {  	_ =	swait.ge [sflag:s9], $0x6000  }
0x40: {  	[sflag:s9] =	ssyncset.done $0x0  }
0x41: {  	s24 =	sadd.s32 $0x4, s24;
	s25 =	sadd.s32 $0xC00, s25;
	[sflag:s9] =	ssyncadd.s32 $0xFFFFA000  }
0x42: {  	s23 =	sadd.s32 $0x1, s23  }
0x43: {  	p0 =	sne.s32 s23, s6  }
.Ltmp1:
0x44: {  	_ = 	snop;
	(pc) =	sbr.rel @p0 .LBB2_1-.Ltmp1, $1  }
0x45: {  	_ =	sdelay $0x3  }
0x46: {  	_ =	sfence.sel $0x180000  }
0x47: {  	[bflag:$0x0] =	sbarrier.arrive $0xFFFF  }
0x48: {  	p0 =	sne.s32 s0, $0x0;
	_ =	strace $0x9000004A  }
0x49: {  	s0 =	sadd.s32 @!p0 $0x100000, s1;
	[bflag:$0x2] =	sbarrier.arrive $0xFFFF  }
0x4a: {  	[sflag:s0] =	ssyncadd.tile.s32 @!p0 $0x1;
	_ =	shalt  }
.Lfunc_end2:
_tile_overlayer_lowered:
.L_overlay_start_2:
0x4b: {  	(tag) =	ssettag $0x2  }
0x4c: {  	s0 =	rddreg [dreg:$0x0];
	s2 =	stileid.u32  }
0x4d: {  	s1 =	rddreg [dreg:$0x1];
	p0 =	sne.s32 s2, $0x0  }
0x4e: {  	s3 =	rddreg [dreg:$0x2];
	[bflag:$0x3] =	sbarrier.arrive $0xFFFF;
	s2 =	simm.s32 @!p0 $0x1C02  }
0x4f: {  	[timem:s3], [sflag:s2] =	dma.local @!p0 [hbm:s0], s1  }
0x50: {  	s0 =	simm.s32 @!p0 $0x2  }
0x51: {  	_ =	swait.ge @!p0 [sflag:s0], s1  }
0x52: {  	s1 =	ssub.s32 @!p0 $0x0, s1;
	[sflag:s0] =	ssyncset.done @!p0 $0x0  }
0x53: {  	[sflag:s0] =	ssyncadd.s32 @!p0 s1  }
0x54: {  	[bflag:$0x3] =	sbarrier.arrive $0xFFFF  }
0x55: {  	_ =	shalt  }

// kernel: kernel.16.cloned.1.call-start
scs
__scs_entry_jumppad:
0x0: {  	(pc) =	sbr.rel $0x88, $3  }
0x1: {  	(tag) =	ssettag $0x0;
	lr =	simm.s32 $0x1  }
0x2: {  	[smem:$0x3F8F] =	sst lr;
	_ =	strace $0xD0000000  }
0x3: {  	_ = 	snop  }
0x4: {  	_ = 	snop  }
0x5: {  	_ = 	snop  }
0x6: {  	_ = 	snop  }
0x7: {  	_ = 	snop  }
__scs_overlays_trampoline_lowered:
0x8: {  	[smem:$0x3F9E] =	sst s0  }
0x9: {  	[smem:$0x3F9F] =	sst s1  }
0xa: {  	[smem:$0x3FA0] =	sst s2  }
0xb: {  	[smem:$0x3FA1] =	sst s3  }
0xc: {  	[smem:$0x3FA2] =	sst s4  }
0xd: {  	[smem:$0x3FA3] =	sst s5  }
0xe: {  	[smem:$0x3FA4] =	sst s6  }
0xf: {  	[smem:$0x3FA5] =	sst s7  }
0x10: {  	[smem:$0x3FA6] =	sst s8  }
0x11: {  	[smem:$0x3FA7] =	sst s9;
	s0 =	simm.s32 @!p0 $0x0  }
0x12: {  	s1 =	sld [smem:$0x3F8D];
	s0 =	simm.s32 @p0 $0x1  }
0x13: {  	[smem:$0x3FA8] =	sst s0;
	s0 =	simm.s32 @!p1 $0x0  }
0x14: {  	s2 =	sld [smem:$0x3F8C];
	s0 =	simm.s32 @p1 $0x1  }
0x15: {  	[smem:$0x3FA9] =	sst s0;
	s0 =	simm.s32 @!p2 $0x0  }
0x16: {  	s3 =	sld [smem:$0x3FDB];
	s0 =	simm.s32 @p2 $0x1  }
0x17: {  	s4 =	simm.s32 $0x1BF5;
	[smem:$0x3FAB] =	sst s0  }
0x18: {  	s0 =	sld [smem:$0x3F8E];
	_ =	swait.ge [sflag:s4], $0x0  }
0x19: {  	s7 =	sld [smem:$0x3F8F]  }
0x1a: {  	s8 =	sadd.s32 $0xFFFFE003, lr  }
0x1b: {  	s9 =	sadd.s32 $0xFFFFFEF7, lr;
	s5 =	simm.s32 $0xFFFFFFFF;
	p2 =	slt.u32 s8, $0xFFFFF086  }
0x1c: {  	p1 =	slt.u32 s9, $0xF7A;
	s5 =	simm.s32 @!p2 $0x0  }
0x1d: {  	s5 =	simm.s32 @p1 $0x1;
	p0 =	seq.s32 s7, s2  }
0x1e: {  	s7 =	smul.u32 @!p0 $0xF7A, s2;
	p2 =	seq.s32 @!p0 s5, $0x0  }
0x1f: {  	s9 =	smul.u32 $0xF7A, s1;
	s8 =	simm.s32 @!p0 $0x1BF5;
	p2 =	por !p2, p0  }
0x20: {  	[sflag:s8] =	ssyncset.s32 @!p0 $0xFFFFF086;
	s6 =	sadd.s32 @!p0 s3, s7;
	s7 =	simm.s32 @!p0 $0x108  }
0x21: {  	s3 =	sadd.s32 s3, s9;
	s6 =	sadd.s32 @!p0 $0x88, s6;
	s7 =	simm.s32 @p2 $0x1082  }
0x22: {  	[simem:s7], [sflag:s8] =	dma.local @!p0 [hbm:s6], $0xF7A  }
0x23: {  	s9 =	sor.u32 $0xD0000000, s2;
	s6 =	simm.s32 $0x108;
	_ =	swait.ge @!p0 [sflag:s8], $0x0  }
0x24: {  	s3 =	sadd.s32 $0x88, s3;
	s6 =	simm.s32 @!p1 $0x1082;
	[sflag:s4] =	ssyncset.s32 $0xFFFFF086  }
0x25: {  	[simem:s6], [sflag:s4] =	dma.local [hbm:s3], $0xF7A  }
0x26: {  	[smem:$0x3F8F] =	sst s1;
	(tag) =	ssettag s2;
	_ =	strace s9  }
0x27: {  	s1 =	sld [smem:$0x3F9F]  }
0x28: {  	s2 =	sld [smem:$0x3FA0]  }
0x29: {  	s4 =	sld [smem:$0x3FA2]  }
0x2a: {  	p0 =	seq.s32 s5, $0x0;
	s5 =	sld [smem:$0x3FA3]  }
0x2b: {  	s6 =	sld [smem:$0x3FA4]  }
0x2c: {  	s7 =	sld [smem:$0x3FA5]  }
0x2d: {  	s3 =	simm.s32 $0x108;
	s8 =	sld [smem:$0x3FA6]  }
0x2e: {  	s3 =	simm.s32 @!p0 $0x1082;
	s9 =	sld [smem:$0x3FA7]  }
0x2f: {  	lr =	sadd.s32 s0, s3;
	s0 =	sld [smem:$0x3F9E]  }
0x30: {  	s3 =	sld [smem:$0x3FA1]  }
0x31: {  	[smem:$0x3FAA] =	sst s10  }
0x32: {  	s10 =	sld [smem:$0x3FA8];
	_ =	sdelay $0x3  }
0x33: {  	p0 =	seq.s32 s10, $0x1;
	s10 =	sld [smem:$0x3FAA];
	_ =	sdelay $0x3  }
0x34: {  	[smem:$0x3FAA] =	sst s10  }
0x35: {  	s10 =	sld [smem:$0x3FA9];
	_ =	sdelay $0x3  }
0x36: {  	p1 =	seq.s32 s10, $0x1;
	s10 =	sld [smem:$0x3FAA];
	_ =	sdelay $0x3  }
0x37: {  	[smem:$0x3FAA] =	sst s10  }
0x38: {  	s10 =	sld [smem:$0x3FAB]  }
0x39: {  	_ = 	snop;
	(pc) =	sbr.ind lr, $3  }
0x3a: {  	_ = 	snop  }
0x3b: {  	_ = 	snop  }
0x3c: {  	p2 =	seq.s32 s10, $0x1;
	s10 =	sld [smem:$0x3FAA]  }
0x3d: {  	_ =	shalt  }
0x3e: {  	_ =	shalt  }
0x3f: {  	_ =	shalt  }
0x40: {  	_ =	shalt  }
0x41: {  	_ =	shalt  }
0x42: {  	_ =	shalt  }
0x43: {  	_ =	shalt  }
0x44: {  	_ =	shalt  }
0x45: {  	_ =	shalt  }
0x46: {  	_ =	shalt  }
0x47: {  	_ =	shalt  }
0x48: {  	_ =	shalt  }
0x49: {  	_ =	shalt  }
0x4a: {  	_ =	shalt  }
0x4b: {  	_ =	shalt  }
0x4c: {  	_ =	shalt  }
0x4d: {  	_ =	shalt  }
0x4e: {  	_ =	shalt  }
0x4f: {  	_ =	shalt  }
0x50: {  	_ =	shalt  }
0x51: {  	_ =	shalt  }
0x52: {  	_ =	shalt  }
0x53: {  	_ =	shalt  }
0x54: {  	_ =	shalt  }
0x55: {  	_ =	shalt  }
0x56: {  	_ =	shalt  }
0x57: {  	_ =	shalt  }
0x58: {  	_ =	shalt  }
0x59: {  	_ =	shalt  }
0x5a: {  	_ =	shalt  }
0x5b: {  	_ =	shalt  }
0x5c: {  	_ =	shalt  }
0x5d: {  	_ =	shalt  }
0x5e: {  	_ =	shalt  }
0x5f: {  	_ =	shalt  }
0x60: {  	_ =	shalt  }
0x61: {  	_ =	shalt  }
0x62: {  	_ =	shalt  }
0x63: {  	_ =	shalt  }
0x64: {  	_ =	shalt  }
0x65: {  	_ =	shalt  }
0x66: {  	_ =	shalt  }
0x67: {  	_ =	shalt  }
0x68: {  	_ =	shalt  }
0x69: {  	_ =	shalt  }
0x6a: {  	_ =	shalt  }
0x6b: {  	_ =	shalt  }
0x6c: {  	_ =	shalt  }
0x6d: {  	_ =	shalt  }
0x6e: {  	_ =	shalt  }
0x6f: {  	_ =	shalt  }
0x70: {  	_ =	shalt  }
0x71: {  	_ =	shalt  }
0x72: {  	_ =	shalt  }
0x73: {  	_ =	shalt  }
0x74: {  	_ =	shalt  }
0x75: {  	_ =	shalt  }
0x76: {  	_ =	shalt  }
0x77: {  	_ =	shalt  }
0x78: {  	_ =	shalt  }
0x79: {  	_ =	shalt  }
0x7a: {  	_ =	shalt  }
0x7b: {  	_ =	shalt  }
0x7c: {  	_ =	shalt  }
0x7d: {  	_ =	shalt  }
0x7e: {  	_ =	shalt  }
0x7f: {  	_ =	shalt  }
0x80: {  	_ =	shalt  }
0x81: {  	_ =	shalt  }
0x82: {  	_ =	shalt  }
0x83: {  	_ =	shalt  }
0x84: {  	_ =	shalt  }
0x85: {  	_ =	shalt  }
0x86: {  	_ =	shalt  }
0x87: {  	_ =	shalt  }
.Lfunc_end0:
.L_simem_size_0:
called_computation.2_lowered:
.L_overlay_start_0:
0x88: {  	s2 =	sld [smem:$0x3FD9]  }
0x89: {  	s3 =	sld [smem:$0x3FFE];
	_ =	sdelay $0x1  }
0x8a: {  	s1 =	srdreg.scid  }
0x8b: {  	s0 =	sand.u32 $0x1, s1  }
0x8c: {  	s17 =	sshll.u32 s0, $0xA;
	s2 =	sadd.s32 s3, s2  }
0x8d: {  	s2 =	sadd.s32 s2, s17  }
0x8e: {  	[smem:$0x3FB6] =	sst s2  }
0x8f: {  	_ = 	snop  }
0x90: {  	s2 =	sld [smem:$0x3FD0];
	(tm) =	ssettm $0x1  }
0x91: {  	s18 =	sld [smem:$0x3FFB];
	_ =	sdelay $0x3  }
0x92: {  	_ =	strace s18  }
0x93: {  	s3 =	sld [smem:$0x3FFC];
	_ =	sdelay $0x3  }
0x94: {  	_ =	strace s3  }
0x95: {  	s3 =	sld [smem:$0x3FFD];
	_ =	sdelay $0x3  }
0x96: {  	_ =	strace s3  }
0x97: {  	_ =	strace $0x8FFFFFFF  }
0x98: {  	s19 =	sld [smem:$0x3FDB];
	_ =	sdelay $0x1  }
0x99: {  	s4 =	simm.s32 $_scs_section_size  }
0x9a: {  	s5 =	simm.s32 $_size__tile_overlayer_lowered;
	s6 =	simm.s32 $_tile_overlayer_lowered  }
0x9b: {  	s22 =	simm.s32 $0x1BFF;
	s21 =	sshll.u32 s6, $0x1;
	s3 =	sadd.s32 s4, s19  }
0x9c: {  	s7 =	simm.s32 $0x0;
	s20 =	sshll.u32 s5, $0x1;
	s5 =	sadd.s32 s21, s3  }
0x9d: {  	[timem:s7], [sflag:s22] =	dma.local [hbm:s5], s20  }
0x9e: {  	_ =	swait.ge [sflag:s22], s20  }
0x9f: {  	s4 =	ssub.s32 $0x0, s20;
	[sflag:s22] =	ssyncset.done $0x0  }
0xa0: {  	[sflag:s22] =	ssyncadd.s32 s4;
	_ =	sdelay $0x1  }
0xa1: {  	s23 =	simm.s32 $0x1B8B  }
0xa2: {  	_ =	swait.ge [sflag:s23], $0x1  }
0xa3: {  	[sflag:s23] =	ssyncset.done $0x0  }
0xa4: {  	s25 =	simm.s32 $0x1B8E;
	s24 =	sld [smem:$0x3FFE];
	[sflag:s23] =	ssyncadd.s32 $0xFFFFFFFF  }
0xa5: {  	s26 =	simm.s32 $execute0_lowered;
	[smem:$0x3FD2] =	sst s25  }
0xa6: {  	s5 =	sshll.u32 s26, $0x1;
	_ =	strace $0x8000004C;
	[dreg:$0x1] =	wrdreg $0xFFFFFFFF  }
0xa7: {  	s28 =	simm.s32 $_size_execute0_lowered;
	s3 =	sadd.s32 s3, s5;
	[dreg:$0x0] =	wrdreg $0x0  }
0xa8: {  	s5 =	sshll.u32 s28, $0x1;
	[dreg:$0x2] =	wrdreg s3  }
0xa9: {  	[dreg:$0x3] =	wrdreg s5  }
0xaa: {  	[dreg:$0x4] =	wrdreg $0xC0  }
0xab: {  	_ =	task [dreg:s7], $0x5FFFF  }
0xac: {  	[dreg:$0x1] =	wrdreg $0xFFFFFFFF  }
0xad: {  	[dreg:$0x0] =	wrdreg $0x60  }
0xae: {  	[dreg:$0x2] =	wrdreg s24  }
0xaf: {  	[dreg:$0x3] =	wrdreg s2  }
0xb0: {  	[dreg:$0x4] =	wrdreg $0x9  }
0xb1: {  	_ =	task.clear_ibuf [dreg:s7], $0x5FFFF;
	_ =	strace $0x9000004C  }
0xb2: {  	s29 =	simm.s32 $0x9;
	_ =	strace $0x8000004E  }
0xb3: {  	_ =	swait.ge [sflag:s29], $0x1  }
0xb4: {  	[sflag:s29] =	ssyncadd.s32 $0xFFFFFFFF  }
0xb5: {  	_ =	strace $0x9000004E  }
0xb6: {  	_ =	sfence  }
0xb7: {  	s30 =	sld [smem:$0x0];
	_ =	sdelay $0x2  }
0xb8: {  	s31 =	sshll.u32 s1, $0xD;
	s1 =	sshrl.u32 s1, $0x2  }
0xb9: {  	s3 =	sand.u32 $0x4000, s31;
	s1 =	sadd.s32 s1, s30  }
0xba: {  	s0 =	sor.u32 s3, s0;
	s1 =	sshll.u32 s1, $0x11  }
0xbb: {  	s0 =	sor.u32 s1, s0  }
0xbc: {  	s0 =	sadd.s32 $0x8F2B, s0  }
0xbd: {  	[sflag:s0] =	ssyncadd.remote.s32 $0x1  }
0xbe: {  	_ =	sfence.sel $0xFFFF  }
0xbf: {  	[dreg:$0x0] =	wrdreg $0xFFFFFFFF;
	(pc) =	sbr.abs _section_cstart, $3  }
0xc0: {  	[dreg:$0x1] =	wrdreg $0xFFFFFFFF  }
0xc1: {  	_ =	task.clear_ibuf [dreg:s7], $0x2FFFF;
	_ =	strace $0x9FFFFFFF  }
0xc2: {  	(tm) =	ssettm $0x7FFFFFFF  }
0xc3: {  	_ =	shalt  }
tec
execute0_lowered:
.L_overlay_start_1:
0x0: {  	(tag) =	ssettag $0x1  }
0x1: {  	s10 =	rddreg [dreg:$0x0]  }
0x2: {  	s1 =	rddreg [dreg:$0x1]  }
0x3: {  	s0 =	rddreg [dreg:$0x2];
	s2 =	simm.s32 $0x0  }
0x4: {  	s3 =	srdreg.scid;
	s14 =	simm.s32 $0x880;
	s15 =	simm.s32 $0x1080  }
0x5: {  	s16 =	simm.s32 $0x1880;
	s17 =	simm.s32 $0x2080;
	s18 =	simm.s32 $0x2880  }
0x6: {  	s19 =	simm.s32 $0x3080;
	s20 =	simm.s32 $0x3880;
	s21 =	simm.s32 $0x4080  }
0x7: {  	s22 =	simm.s32 $0x4880;
	s23 =	simm.s32 $0x5080;
	s24 =	simm.s32 $0x5880  }
0x8: {  	s25 =	simm.s32 $0x1;
	s26 =	simm.s32 $0x0;
	[smem:$0x7FF] =	sst s2  }
0x9: {  	s4 =	sadd.s32 $0x4200, s10;
	s5 =	sadd.s32 $0x4400, s10;
	s7 =	sand.u32 $0x1, s3  }
0xa: {  	s6 =	sadd.s32 $0x4600, s10;
	s3 =	stileid.u32;
	s8 =	ssub.s32 $0x2, s7  }
0xb: {  	_ =	strace $0x8000004D;
	s11 =	sshll.u32 s3, $0x4;
	s9 =	sshrl.u32 s8, $0x1  }
0xc: {  	v2 =	vlaneseq.u32;
	s12 =	sshll.u32 s7, $0x3;
	s7 =	sadd.s32 $0x7C600, s10;
	s13 =	ssub.s32 s8, s9  }
0xd: {  	vm0 =	vmmov $0xffff;
	v1 =	vshrl.u32 v2, $0x3;
	s8 =	sor.u32 s12, s11;
	s9 =	sadd.s32 $0x4700, s10;
	s10 =	sadd.s32 $0x4800, s10  }
0xe: {  	v0 =	vand.u32 $0x7, v2;
	v2 =	vor.u32 $0x8, v2;
	v1 =	vmul.u32 $0x8, v1;
	s12 =	simm.s32 $0x2;
	s11 =	smax.u32 s13, $0x1;
	s13 =	simm.s32 $0x80  }
.LBB2_1:
0xf: {  	p0 =	por $0x1, $0x1;
	s28 =	simm.s32 $0x0  }
.LBB2_2:
0x10: {  	s28 =	sor.u32 s8, s28  }
0x11: {  	s29 =	sadd.s32 s4, s28  }
0x12: {  	[tilespmem:s2], [sflag:$0x2] =	stream.linear.gather [hbm4b:s29+s2], $0x20, $0x38;
	[tilespmem:$0x6080] =	vst v63  }
0x13: {  	_ =	swait.ge [sflag:s12], $0x20  }
0x14: {  	[sflag:s12] =	ssyncset.done $0x0  }
0x15: {  	[sflag:s12] =	ssyncadd.s32 $0xFFFFFFE0  }
0x16: {  	v3 =	vld [tilespmem:$0x0];
	_ =	sdelay $0x4  }
0x17: {  	v4 =	vshrl.u32 v3, $0x3  }
0x18: {  	v4 =	vmul.u32 $0x30, v4  }
0x19: {  	v3 =	vand.u32 $0x7, v3  }
0x1a: {  	v3 =	vor.u32 v3, v4  }
0x1b: {  	v4 =	vperm.xlane v3, v0;
	_ =	sdelay $0x1  }
0x1c: {  	v4 =	vadd.s32 v1, v4;
	_ =	sdelay $0x3  }
0x1d: {  	v3 =	vperm.xlane v3, v2  }
0x1e: {  	[tilespmem:s13], [sflag:$0x1] =	stream.indirect_vreg.gather [hbm4b:s6+s2], $0x80, v4, vm0, $0xb8;
	[tilespmem:$0x6080] =	vst v63  }
0x1f: {  	v3 =	vadd.s32 v1, v3  }
0x20: {  	[tilespmem:s14], [sflag:$0x1] =	stream.indirect_vreg.gather [hbm4b:s9+s2], $0x80, v4, vm0, $0xb8;
	[tilespmem:$0x6080] =	vst v63  }
0x21: {  	_ = 	snop  }
0x22: {  	[tilespmem:s15], [sflag:$0x1] =	stream.indirect_vreg.gather [hbm4b:s10+s2], $0x80, v4, vm0, $0xb8;
	[tilespmem:$0x6080] =	vst v63  }
0x23: {  	_ = 	snop  }
0x24: {  	[tilespmem:s16], [sflag:$0x1] =	stream.indirect_vreg.gather [hbm4b:s6+s2], $0x80, v3, vm0, $0xb8;
	[tilespmem:$0x6080] =	vst v63  }
0x25: {  	_ = 	snop  }
0x26: {  	[tilespmem:s17], [sflag:$0x1] =	stream.indirect_vreg.gather [hbm4b:s9+s2], $0x80, v3, vm0, $0xb8;
	[tilespmem:$0x6080] =	vst v63  }
0x27: {  	_ = 	snop  }
0x28: {  	[tilespmem:s18], [sflag:$0x1] =	stream.indirect_vreg.gather [hbm4b:s10+s2], $0x80, v3, vm0, $0xb8;
	[tilespmem:$0x6080] =	vst v63  }
0x29: {  	v3 =	vld [tilespmem:$0x10];
	_ =	sdelay $0x4  }
0x2a: {  	v61 =	vshrl.u32 v3, $0x3  }
0x2b: {  	v4 =	vmul.u32 $0x30, v61  }
0x2c: {  	v3 =	vand.u32 $0x7, v3  }
0x2d: {  	v3 =	vor.u32 v3, v4  }
0x2e: {  	v4 =	vperm.xlane v3, v0;
	_ =	sdelay $0x1  }
0x2f: {  	v4 =	vadd.s32 v1, v4;
	_ =	sdelay $0x3  }
0x30: {  	v3 =	vperm.xlane v3, v2  }
0x31: {  	[tilespmem:s19], [sflag:$0x1] =	stream.indirect_vreg.gather [hbm4b:s6+s2], $0x80, v4, vm0, $0xb8;
	[tilespmem:$0x6080] =	vst v63  }
0x32: {  	v3 =	vadd.s32 v1, v3  }
0x33: {  	[tilespmem:s20], [sflag:$0x1] =	stream.indirect_vreg.gather [hbm4b:s9+s2], $0x80, v4, vm0, $0xb8;
	[tilespmem:$0x6080] =	vst v63  }
0x34: {  	_ = 	snop  }
0x35: {  	[tilespmem:s21], [sflag:$0x1] =	stream.indirect_vreg.gather [hbm4b:s10+s2], $0x80, v4, vm0, $0xb8;
	[tilespmem:$0x6080] =	vst v63  }
0x36: {  	_ = 	snop  }
0x37: {  	[tilespmem:s22], [sflag:$0x1] =	stream.indirect_vreg.gather [hbm4b:s6+s2], $0x80, v3, vm0, $0xb8;
	[tilespmem:$0x6080] =	vst v63  }
0x38: {  	_ = 	snop  }
0x39: {  	[tilespmem:s23], [sflag:$0x1] =	stream.indirect_vreg.gather [hbm4b:s9+s2], $0x80, v3, vm0, $0xb8;
	[tilespmem:$0x6080] =	vst v63  }
0x3a: {  	_ = 	snop  }
0x3b: {  	[tilespmem:s24], [sflag:$0x1] =	stream.indirect_vreg.gather [hbm4b:s10+s2], $0x80, v3, vm0, $0xb8;
	[tilespmem:$0x6080] =	vst v63  }
0x3c: {  	s31 =	smul.u32 $0x300, s28;
	_ =	swait.ge [sflag:s25], $0x6000  }
0x3d: {  	[sflag:s25] =	ssyncset.done $0x0  }
0x3e: {  	s30 =	sadd.s32 s1, s31;
	[sflag:s25] =	ssyncadd.s32 $0xFFFFA000  }
0x3f: {  	[hbm4b:s30+s2] =	stream.linear.scatter [tilespmem:s13], [sflag:$0x2], $0x6000, $0x38;
	[tilespmem:$0x6080] =	vst v63  }
0x40: {  	_ =	swait.ge [sflag:s12], $0x6000  }
0x41: {  	[sflag:s12] =	ssyncset.done $0x0  }
0x42: {  	s28 =	sadd.s32 s5, s28;
	[sflag:s12] =	ssyncadd.s32 $0xFFFFA000  }
0x43: {  	[tilespmem:s2], [sflag:$0x2] =	stream.linear.gather [hbm4b:s28+s2], $0x20, $0x38;
	[tilespmem:$0x6080] =	vst v63  }
0x44: {  	_ =	swait.ge [sflag:s12], $0x20  }
0x45: {  	[sflag:s12] =	ssyncset.done $0x0  }
0x46: {  	[sflag:s12] =	ssyncadd.s32 $0xFFFFFFE0  }
0x47: {  	v3 =	vld [tilespmem:$0x0];
	_ =	sdelay $0x4  }
0x48: {  	v62 =	vshrl.u32 v3, $0x3  }
0x49: {  	v4 =	vmul.u32 $0x30, v62  }
0x4a: {  	v3 =	vand.u32 $0x7, v3  }
0x4b: {  	v3 =	vor.u32 v3, v4  }
0x4c: {  	v4 =	vperm.xlane v3, v0;
	_ =	sdelay $0x1  }
0x4d: {  	v4 =	vadd.s32 v1, v4;
	_ =	sdelay $0x3  }
0x4e: {  	v3 =	vperm.xlane v3, v2  }
0x4f: {  	[tilespmem:s13], [sflag:$0x1] =	stream.indirect_vreg.gather [hbm4b:s6+s2], $0x80, v4, vm0, $0xb8;
	[tilespmem:$0x6080] =	vst v63  }
0x50: {  	v3 =	vadd.s32 v1, v3  }
0x51: {  	[tilespmem:s14], [sflag:$0x1] =	stream.indirect_vreg.gather [hbm4b:s9+s2], $0x80, v4, vm0, $0xb8;
	[tilespmem:$0x6080] =	vst v63  }
0x52: {  	_ = 	snop  }
0x53: {  	[tilespmem:s15], [sflag:$0x1] =	stream.indirect_vreg.gather [hbm4b:s10+s2], $0x80, v4, vm0, $0xb8;
	[tilespmem:$0x6080] =	vst v63  }
0x54: {  	_ = 	snop  }
0x55: {  	[tilespmem:s16], [sflag:$0x1] =	stream.indirect_vreg.gather [hbm4b:s6+s2], $0x80, v3, vm0, $0xb8;
	[tilespmem:$0x6080] =	vst v63  }
0x56: {  	_ = 	snop  }
0x57: {  	[tilespmem:s17], [sflag:$0x1] =	stream.indirect_vreg.gather [hbm4b:s9+s2], $0x80, v3, vm0, $0xb8;
	[tilespmem:$0x6080] =	vst v63  }
0x58: {  	_ = 	snop  }
0x59: {  	[tilespmem:s18], [sflag:$0x1] =	stream.indirect_vreg.gather [hbm4b:s10+s2], $0x80, v3, vm0, $0xb8;
	[tilespmem:$0x6080] =	vst v63  }
0x5a: {  	v3 =	vld [tilespmem:$0x10];
	_ =	sdelay $0x4  }
0x5b: {  	v63 =	vshrl.u32 v3, $0x3  }
0x5c: {  	v4 =	vmul.u32 $0x30, v63  }
0x5d: {  	v3 =	vand.u32 $0x7, v3  }
0x5e: {  	v3 =	vor.u32 v3, v4  }
0x5f: {  	v4 =	vperm.xlane v3, v0;
	_ =	sdelay $0x1  }
0x60: {  	v4 =	vadd.s32 v1, v4;
	_ =	sdelay $0x3  }
0x61: {  	v3 =	vperm.xlane v3, v2  }
0x62: {  	[tilespmem:s19], [sflag:$0x1] =	stream.indirect_vreg.gather [hbm4b:s6+s2], $0x80, v4, vm0, $0xb8;
	[tilespmem:$0x6080] =	vst v63  }
0x63: {  	v3 =	vadd.s32 v1, v3  }
0x64: {  	[tilespmem:s20], [sflag:$0x1] =	stream.indirect_vreg.gather [hbm4b:s9+s2], $0x80, v4, vm0, $0xb8;
	[tilespmem:$0x6080] =	vst v63  }
0x65: {  	_ = 	snop  }
0x66: {  	[tilespmem:s21], [sflag:$0x1] =	stream.indirect_vreg.gather [hbm4b:s10+s2], $0x80, v4, vm0, $0xb8;
	[tilespmem:$0x6080] =	vst v63  }
0x67: {  	_ = 	snop  }
0x68: {  	[tilespmem:s22], [sflag:$0x1] =	stream.indirect_vreg.gather [hbm4b:s6+s2], $0x80, v3, vm0, $0xb8;
	[tilespmem:$0x6080] =	vst v63  }
0x69: {  	_ = 	snop  }
0x6a: {  	[tilespmem:s23], [sflag:$0x1] =	stream.indirect_vreg.gather [hbm4b:s9+s2], $0x80, v3, vm0, $0xb8;
	[tilespmem:$0x6080] =	vst v63  }
0x6b: {  	_ = 	snop  }
0x6c: {  	[tilespmem:s24], [sflag:$0x1] =	stream.indirect_vreg.gather [hbm4b:s10+s2], $0x80, v3, vm0, $0xb8;
	[tilespmem:$0x6080] =	vst v63  }
0x6d: {  	_ =	swait.ge [sflag:s25], $0x6000  }
0x6e: {  	p1 =	por p0, p0;
	[sflag:s25] =	ssyncset.done $0x0  }
.Ltmp0:
0x6f: {  	s28 =	sadd.s32 s7, s31;
	[sflag:s25] =	ssyncadd.s32 $0xFFFFA000;
	(pc) =	sbr.rel @p1 .LBB2_2-.Ltmp0, $4  }
0x70: {  	[hbm4b:s28+s2] =	stream.linear.scatter [tilespmem:s13], [sflag:$0x2], $0x6000, $0x38;
	[tilespmem:$0x6080] =	vst v63  }
0x71: {  	_ =	swait.ge [sflag:s12], $0x6000  }
0x72: {  	[sflag:s12] =	ssyncset.done $0x0  }
0x73: {  	p0 =	por $0x0, $0x0;
	s28 =	simm.s32 $0x4;
	[sflag:s12] =	ssyncadd.s32 $0xFFFFA000  }
0x74: {  	s26 =	sadd.s32 $0x1, s26  }
0x75: {  	p0 =	sne.s32 s26, s11  }
.Ltmp1:
0x76: {  	_ = 	snop;
	(pc) =	sbr.rel @p0 .LBB2_1-.Ltmp1, $1  }
0x77: {  	_ =	sdelay $0x3  }
0x78: {  	_ =	sfence.sel $0x180000  }
0x79: {  	[bflag:$0x0] =	sbarrier.arrive $0xFFFF  }
0x7a: {  	p0 =	sne.s32 s3, $0x0;
	_ =	strace $0x9000004D  }
0x7b: {  	s0 =	sadd.s32 @!p0 $0x100000, s0;
	[bflag:$0x2] =	sbarrier.arrive $0xFFFF  }
0x7c: {  	[sflag:s0] =	ssyncadd.tile.s32 @!p0 $0x1;
	_ =	shalt  }
.Lfunc_end2:
_tile_overlayer_lowered:
.L_overlay_start_2:
0x7d: {  	(tag) =	ssettag $0x2  }
0x7e: {  	s0 =	rddreg [dreg:$0x0];
	s2 =	stileid.u32  }
0x7f: {  	s1 =	rddreg [dreg:$0x1];
	p0 =	sne.s32 s2, $0x0  }
0x80: {  	s3 =	rddreg [dreg:$0x2];
	[bflag:$0x3] =	sbarrier.arrive $0xFFFF;
	s2 =	simm.s32 @!p0 $0x1C02  }
0x81: {  	[timem:s3], [sflag:s2] =	dma.local @!p0 [hbm:s0], s1  }
0x82: {  	s0 =	simm.s32 @!p0 $0x2  }
0x83: {  	_ =	swait.ge @!p0 [sflag:s0], s1  }
0x84: {  	s1 =	ssub.s32 @!p0 $0x0, s1;
	[sflag:s0] =	ssyncset.done @!p0 $0x0  }
0x85: {  	[sflag:s0] =	ssyncadd.s32 @!p0 s1  }
0x86: {  	[bflag:$0x3] =	sbarrier.arrive $0xFFFF  }
0x87: {  	_ =	shalt  }

</sc_bundles>
